<compile_context>
chip_gen: v7x
topology: tpu7x:2x2x1
jax: 0.10.2.dev20260603
libtpu: 0.0.44.dev20260713+nightly
codegen_flags: <defaults>
</compile_context>

<pallas_src>
import functools

import jax
import jax.numpy as jnp
from jax import lax
from jax.experimental import pallas as pl
from jax.experimental.pallas import tpu as pltpu
from jax.experimental.pallas import tpu_sc as plsc

_NUM_ILLU = 100000
_B = 1048576
_NC = 2
_NS = 16
_NW = _NC * _NS
_B_PER_W = _B // _NW
_CHUNK = 4096
_N_SETS = 2
_N_CHUNKS = _B_PER_W // _CHUNK
_L = 16
_GROUPS = _CHUNK // _L


def _body(e_hbm, idx_hbm, w_hbm, out_hbm, table_v, table_sh,
          idx_a, idx_b, e_a, e_b, o_a, o_b, tsem, isems, esems, osems):
    sid = lax.axis_index("s")
    wid = sid * _NC + lax.axis_index("c")
    base = wid * _B_PER_W

    @pl.when(sid == 0)
    def _load_shared():
        pltpu.sync_copy(w_hbm, table_sh)

    idx_bufs = (idx_a, idx_b)
    e_bufs = (e_a, e_b)
    o_bufs = (o_a, o_b)

    def start_in(ci):
        s = ci % _N_SETS
        off = base + ci * _CHUNK
        ic = pltpu.async_copy(
            idx_hbm.at[pl.ds(off, _CHUNK)], idx_bufs[s], isems.at[ci])
        ec = pltpu.async_copy(
            e_hbm.at[pl.ds(off, _CHUNK)], e_bufs[s], esems.at[ci])
        return ic, ec

    pend_in = {0: start_in(0), 1: start_in(1)}
    pend_out = {}

    plsc.subcore_barrier()
    tcopy = pltpu.async_copy(table_sh, table_v, tsem)
    tcopy.wait()

    for ci in range(_N_CHUNKS):
        s = ci % _N_SETS
        ic, ec = pend_in.pop(ci)
        ic.wait()
        ec.wait()
        if ci - _N_SETS in pend_out:
            pend_out.pop(ci - _N_SETS).wait()
        iv, ev, ov = idx_bufs[s], e_bufs[s], o_bufs[s]

        @plsc.parallel_loop(0, _GROUPS, 1, unroll=4)
        def _gather(gi, iv=iv, ev=ev, ov=ov):
            sl = pl.ds(gi * _L, _L)
            ov[sl] = plsc.load_gather(table_v, [iv[sl]]) * ev[sl]

        off = base + ci * _CHUNK
        pend_out[ci] = pltpu.async_copy(
            ov, out_hbm.at[pl.ds(off, _CHUNK)], osems.at[ci])
        if ci + _N_SETS < _N_CHUNKS:
            pend_in[ci + _N_SETS] = start_in(ci + _N_SETS)

    for oc in pend_out.values():
        oc.wait()


@jax.jit
def kernel(E_in, idx, weights):
    mesh = plsc.VectorSubcoreMesh(core_axis_name="c", subcore_axis_name="s")
    run = functools.partial(
        pl.kernel,
        out_type=jax.ShapeDtypeStruct((_B,), jnp.float32),
        mesh=mesh,
        compiler_params=pltpu.CompilerParams(needs_layout_passes=False),
        scratch_types=[
            pltpu.VMEM((_NUM_ILLU,), jnp.float32),
            pltpu.VMEM_SHARED((_NUM_ILLU,), jnp.float32),
            pltpu.VMEM((_CHUNK,), jnp.int32),
            pltpu.VMEM((_CHUNK,), jnp.int32),
            pltpu.VMEM((_CHUNK,), jnp.float32),
            pltpu.VMEM((_CHUNK,), jnp.float32),
            pltpu.VMEM((_CHUNK,), jnp.float32),
            pltpu.VMEM((_CHUNK,), jnp.float32),
            pltpu.SemaphoreType.DMA,
            pltpu.SemaphoreType.DMA((_N_CHUNKS,)),
            pltpu.SemaphoreType.DMA((_N_CHUNKS,)),
            pltpu.SemaphoreType.DMA((_N_CHUNKS,)),
        ],
    )(_body)
    return run(E_in, idx.astype(jnp.int32), weights)

# --- scband reference (transcript-rebuilt; emitter-appended) ---
"""Pipeline reference for scband-light-correction-layer-72559177499085 (READ-ONLY COPY).

The authoritative reference and input builder live on the scoring server;
editing this copy changes nothing except your own understanding.
"""

import jax, jax.numpy as jnp
import numpy as np

NUM_ILLU = 100000
B = 1048576

def setup_inputs(seed: int = 0) -> dict:
    key = jax.random.key(seed)
    k1, k2 = jax.random.split(key, 2)
    E_in = jax.random.normal(k1, (B,), dtype=jnp.float32)
    idx = jax.random.randint(k2, (B,), 0, NUM_ILLU, dtype=jnp.int64) if jax.config.jax_enable_x64 else jax.random.randint(k2, (B,), 0, NUM_ILLU, dtype=jnp.int32)
    weights = jnp.ones((NUM_ILLU,), dtype=jnp.float32)  # Parameter(torch.ones(N))
    return {"E_in": E_in, "idx": idx, "weights": weights}

def reference(E_in, idx, weights):
    # E_out = self.weights[idx] * E_in
    E_out = jnp.take(weights, idx, axis=0) * E_in
    return E_out

if __name__ == "__main__":
    import jax
    _d = setup_inputs()
    print(jax.jit(kernel)(*tuple(_d.values())))

</pallas_src>

<mosaic_0001>
#map = affine_map<(d0, d1) -> (0)>
module attributes {stable_mosaic.version = 14 : i64} {
  func.func @_body(%arg0: i32, %arg1: i32, %arg2: memref<1048576xf32, #tpu.memory_space<hbm>>, %arg3: memref<1048576xi32, #tpu.memory_space<hbm>>, %arg4: memref<100000xf32, #tpu.memory_space<hbm>>, %arg5: memref<1048576xf32, #tpu.memory_space<hbm>>, %arg6: memref<100000xf32, #tpu.memory_space<vmem>>, %arg7: memref<100000xf32, #tpu.memory_space<vmem_shared>>, %arg8: memref<4096xi32, #tpu.memory_space<vmem>>, %arg9: memref<4096xi32, #tpu.memory_space<vmem>>, %arg10: memref<4096xf32, #tpu.memory_space<vmem>>, %arg11: memref<4096xf32, #tpu.memory_space<vmem>>, %arg12: memref<4096xf32, #tpu.memory_space<vmem>>, %arg13: memref<4096xf32, #tpu.memory_space<vmem>>, %arg14: memref<!tpu.dma_semaphore, #tpu.memory_space<semaphore_mem>>, %arg15: memref<8x!tpu.dma_semaphore, #tpu.memory_space<semaphore_mem>>, %arg16: memref<8x!tpu.dma_semaphore, #tpu.memory_space<semaphore_mem>>, %arg17: memref<8x!tpu.dma_semaphore, #tpu.memory_space<semaphore_mem>>) attributes {dimension_semantics = [#tpu.dimension_semantics<core_parallel>, #tpu.dimension_semantics<subcore_parallel>], iteration_bounds = array<i64: 2, 16>, scalar_prefetch = 0 : i64, scratch_operands = 12 : i64, tpu.core_type = #tpu.core_type<sc_vector_subcore>, window_params = [{transform_indices = #map}, {transform_indices = #map}, {transform_indices = #map}, {transform_indices = #map}]} {
    %mul3A = arith.constant 2 : i32
    %mul3A_0 = arith.muli %arg1, %mul3A : i32
    %add3A = arith.addi %mul3A_0, %arg0 : i32
    %mul3A_1 = arith.constant 32768 : i32
    %mul3A_2 = arith.muli %add3A, %mul3A_1 : i32
    %eq3A = arith.constant 0 : i32
    %eq3A_3 = arith.cmpi eq, %arg1, %eq3A : i32
    %convert_element_type3A = arith.extui %eq3A_3 : i1 to i32
    %cond3A = arith.constant 0 : i32
    %cond3A_4 = arith.cmpi ne, %convert_element_type3A, %cond3A : i32
    scf.if %cond3A_4 {
      "tpu.region"() ({
        %run_scoped3A = tpu.sem_alloc : memref<!tpu.dma_semaphore, #tpu.memory_space<semaphore_mem>>
        tpu.enqueue_dma source(%arg4 : memref<100000xf32, #tpu.memory_space<hbm>>) target(%arg7 : memref<100000xf32, #tpu.memory_space<vmem_shared>>) target_semaphore(%run_scoped3A : memref<!tpu.dma_semaphore, #tpu.memory_space<semaphore_mem>>)
        tpu.wait_dma2 semaphore(%run_scoped3A : memref<!tpu.dma_semaphore, #tpu.memory_space<semaphore_mem>>) src(%arg4 : memref<100000xf32, #tpu.memory_space<hbm>>) dst(%arg7 : memref<100000xf32, #tpu.memory_space<vmem_shared>>)
        tpu.yield
      }) : () -> ()
    } else {
    }
    %add3A_5 = arith.constant 0 : i32
    %add3A_6 = arith.addi %mul3A_2, %add3A_5 : i32
    %dma_start3A = arith.constant 0 : i32
    %dma_start3A_7 = tpu.memref_slice %arg3[%add3A_6] : memref<1048576xi32, #tpu.memory_space<hbm>> -> memref<4096xi32, #tpu.memory_space<hbm>>
    %dma_start3A_8 = tpu.memref_slice %arg15[%dma_start3A] : memref<8x!tpu.dma_semaphore, #tpu.memory_space<semaphore_mem>> -> memref<1x!tpu.dma_semaphore, #tpu.memory_space<semaphore_mem>>
    %dma_start3A_9 = tpu.memref_squeeze %dma_start3A_8 : memref<1x!tpu.dma_semaphore, #tpu.memory_space<semaphore_mem>> -> memref<!tpu.dma_semaphore, #tpu.memory_space<semaphore_mem>>
    %dma_start3A_10 = tpu.memref_slice %arg3[%add3A_6] : memref<1048576xi32, #tpu.memory_space<hbm>> -> memref<4096xi32, #tpu.memory_space<hbm>>
    tpu.enqueue_dma source(%dma_start3A_10 : memref<4096xi32, #tpu.memory_space<hbm>>) target(%arg8 : memref<4096xi32, #tpu.memory_space<vmem>>) target_semaphore(%dma_start3A_9 : memref<!tpu.dma_semaphore, #tpu.memory_space<semaphore_mem>>)
    %dma_start3A_11 = arith.constant 0 : i32
    %dma_start3A_12 = tpu.memref_slice %arg2[%add3A_6] : memref<1048576xf32, #tpu.memory_space<hbm>> -> memref<4096xf32, #tpu.memory_space<hbm>>
    %dma_start3A_13 = tpu.memref_slice %arg16[%dma_start3A_11] : memref<8x!tpu.dma_semaphore, #tpu.memory_space<semaphore_mem>> -> memref<1x!tpu.dma_semaphore, #tpu.memory_space<semaphore_mem>>
    %dma_start3A_14 = tpu.memref_squeeze %dma_start3A_13 : memref<1x!tpu.dma_semaphore, #tpu.memory_space<semaphore_mem>> -> memref<!tpu.dma_semaphore, #tpu.memory_space<semaphore_mem>>
    %dma_start3A_15 = tpu.memref_slice %arg2[%add3A_6] : memref<1048576xf32, #tpu.memory_space<hbm>> -> memref<4096xf32, #tpu.memory_space<hbm>>
    tpu.enqueue_dma source(%dma_start3A_15 : memref<4096xf32, #tpu.memory_space<hbm>>) target(%arg10 : memref<4096xf32, #tpu.memory_space<vmem>>) target_semaphore(%dma_start3A_14 : memref<!tpu.dma_semaphore, #tpu.memory_space<semaphore_mem>>)
    %add3A_16 = arith.constant 4096 : i32
    %add3A_17 = arith.addi %mul3A_2, %add3A_16 : i32
    %dma_start3A_18 = arith.constant 1 : i32
    %dma_start3A_19 = tpu.memref_slice %arg3[%add3A_17] : memref<1048576xi32, #tpu.memory_space<hbm>> -> memref<4096xi32, #tpu.memory_space<hbm>>
    %dma_start3A_20 = tpu.memref_slice %arg15[%dma_start3A_18] : memref<8x!tpu.dma_semaphore, #tpu.memory_space<semaphore_mem>> -> memref<1x!tpu.dma_semaphore, #tpu.memory_space<semaphore_mem>>
    %dma_start3A_21 = tpu.memref_squeeze %dma_start3A_20 : memref<1x!tpu.dma_semaphore, #tpu.memory_space<semaphore_mem>> -> memref<!tpu.dma_semaphore, #tpu.memory_space<semaphore_mem>>
    %dma_start3A_22 = tpu.memref_slice %arg3[%add3A_17] : memref<1048576xi32, #tpu.memory_space<hbm>> -> memref<4096xi32, #tpu.memory_space<hbm>>
    tpu.enqueue_dma source(%dma_start3A_22 : memref<4096xi32, #tpu.memory_space<hbm>>) target(%arg9 : memref<4096xi32, #tpu.memory_space<vmem>>) target_semaphore(%dma_start3A_21 : memref<!tpu.dma_semaphore, #tpu.memory_space<semaphore_mem>>)
    %dma_start3A_23 = arith.constant 1 : i32
    %dma_start3A_24 = tpu.memref_slice %arg2[%add3A_17] : memref<1048576xf32, #tpu.memory_space<hbm>> -> memref<4096xf32, #tpu.memory_space<hbm>>
    %dma_start3A_25 = tpu.memref_slice %arg16[%dma_start3A_23] : memref<8x!tpu.dma_semaphore, #tpu.memory_space<semaphore_mem>> -> memref<1x!tpu.dma_semaphore, #tpu.memory_space<semaphore_mem>>
    %dma_start3A_26 = tpu.memref_squeeze %dma_start3A_25 : memref<1x!tpu.dma_semaphore, #tpu.memory_space<semaphore_mem>> -> memref<!tpu.dma_semaphore, #tpu.memory_space<semaphore_mem>>
    %dma_start3A_27 = tpu.memref_slice %arg2[%add3A_17] : memref<1048576xf32, #tpu.memory_space<hbm>> -> memref<4096xf32, #tpu.memory_space<hbm>>
    tpu.enqueue_dma source(%dma_start3A_27 : memref<4096xf32, #tpu.memory_space<hbm>>) target(%arg11 : memref<4096xf32, #tpu.memory_space<vmem>>) target_semaphore(%dma_start3A_26 : memref<!tpu.dma_semaphore, #tpu.memory_space<semaphore_mem>>)
    %barrier3A = arith.constant 0 : index
    tpu.barrier barrier_id(%barrier3A)
    tpu.enqueue_dma source(%arg7 : memref<100000xf32, #tpu.memory_space<vmem_shared>>) target(%arg6 : memref<100000xf32, #tpu.memory_space<vmem>>) target_semaphore(%arg14 : memref<!tpu.dma_semaphore, #tpu.memory_space<semaphore_mem>>)
    tpu.wait_dma2 semaphore(%arg14 : memref<!tpu.dma_semaphore, #tpu.memory_space<semaphore_mem>>) src(%arg7 : memref<100000xf32, #tpu.memory_space<vmem_shared>>) dst(%arg6 : memref<100000xf32, #tpu.memory_space<vmem>>)
    %dma_wait3A = arith.constant 0 : i32
    %dma_wait3A_28 = tpu.memref_slice %arg3[%add3A_6] : memref<1048576xi32, #tpu.memory_space<hbm>> -> memref<4096xi32, #tpu.memory_space<hbm>>
    %dma_wait3A_29 = tpu.memref_slice %arg15[%dma_wait3A] : memref<8x!tpu.dma_semaphore, #tpu.memory_space<semaphore_mem>> -> memref<1x!tpu.dma_semaphore, #tpu.memory_space<semaphore_mem>>
    %dma_wait3A_30 = tpu.memref_squeeze %dma_wait3A_29 : memref<1x!tpu.dma_semaphore, #tpu.memory_space<semaphore_mem>> -> memref<!tpu.dma_semaphore, #tpu.memory_space<semaphore_mem>>
    %dma_wait3A_31 = tpu.memref_slice %arg3[%add3A_6] : memref<1048576xi32, #tpu.memory_space<hbm>> -> memref<4096xi32, #tpu.memory_space<hbm>>
    tpu.wait_dma2 semaphore(%dma_wait3A_30 : memref<!tpu.dma_semaphore, #tpu.memory_space<semaphore_mem>>) src(%dma_wait3A_31 : memref<4096xi32, #tpu.memory_space<hbm>>) dst(%arg8 : memref<4096xi32, #tpu.memory_space<vmem>>)
    %dma_wait3A_32 = arith.constant 0 : i32
    %dma_wait3A_33 = tpu.memref_slice %arg2[%add3A_6] : memref<1048576xf32, #tpu.memory_space<hbm>> -> memref<4096xf32, #tpu.memory_space<hbm>>
    %dma_wait3A_34 = tpu.memref_slice %arg16[%dma_wait3A_32] : memref<8x!tpu.dma_semaphore, #tpu.memory_space<semaphore_mem>> -> memref<1x!tpu.dma_semaphore, #tpu.memory_space<semaphore_mem>>
    %dma_wait3A_35 = tpu.memref_squeeze %dma_wait3A_34 : memref<1x!tpu.dma_semaphore, #tpu.memory_space<semaphore_mem>> -> memref<!tpu.dma_semaphore, #tpu.memory_space<semaphore_mem>>
    %dma_wait3A_36 = tpu.memref_slice %arg2[%add3A_6] : memref<1048576xf32, #tpu.memory_space<hbm>> -> memref<4096xf32, #tpu.memory_space<hbm>>
    tpu.wait_dma2 semaphore(%dma_wait3A_35 : memref<!tpu.dma_semaphore, #tpu.memory_space<semaphore_mem>>) src(%dma_wait3A_36 : memref<4096xf32, #tpu.memory_space<hbm>>) dst(%arg10 : memref<4096xf32, #tpu.memory_space<vmem>>)
    %parallel_loop3A = arith.constant 0 : i32
    %parallel_loop3A_37 = arith.constant 256 : i32
    %parallel_loop3A_38 = arith.constant 1 : i32
    scf.for %parallel_loop3A_298 = %parallel_loop3A to %parallel_loop3A_37 step %parallel_loop3A_38  : i32 {
      %parallel_loop3A_299 = arith.constant 16 : i32
      %parallel_loop3A_300 = arith.muli %parallel_loop3A_298, %parallel_loop3A_299 : i32
      %parallel_loop3A_301 = arith.index_cast %parallel_loop3A_300 : i32 to index
      %parallel_loop3A_302 = tpu.vector_load %arg8[%parallel_loop3A_301] {strides = array<i32>} : memref<4096xi32, #tpu.memory_space<vmem>>, vector<16xi32>,
      %parallel_loop3A_303 = tpu.vector_load_idx %arg6[%parallel_loop3A_302] : memref<100000xf32, #tpu.memory_space<vmem>>[vector<16xi32>], vector<16xf32>,
      %parallel_loop3A_304 = arith.index_cast %parallel_loop3A_300 : i32 to index
      %parallel_loop3A_305 = tpu.vector_load %arg10[%parallel_loop3A_304] {strides = array<i32>} : memref<4096xf32, #tpu.memory_space<vmem>>, vector<16xf32>,
      %parallel_loop3A_306 = arith.mulf %parallel_loop3A_303, %parallel_loop3A_305 : vector<16xf32>
      %parallel_loop3A_307 = arith.index_cast %parallel_loop3A_300 : i32 to index
      %parallel_loop3A_308 = tpu.vector_load %arg12[%parallel_loop3A_307] {strides = array<i32>} : memref<4096xf32, #tpu.memory_space<vmem>>, vector<16xf32>,
      tpu.vector_store %arg12[%parallel_loop3A_307], %parallel_loop3A_306 {strides = array<i32>} : memref<4096xf32, #tpu.memory_space<vmem>>, vector<16xf32>,
    } {sc.loop_unroll_factor = 4 : i64, sc.parallel_access}
    %add3A_39 = arith.constant 0 : i32
    %add3A_40 = arith.addi %mul3A_2, %add3A_39 : i32
    %dma_start3A_41 = arith.constant 0 : i32
    %dma_start3A_42 = tpu.memref_slice %arg5[%add3A_40] : memref<1048576xf32, #tpu.memory_space<hbm>> -> memref<4096xf32, #tpu.memory_space<hbm>>
    %dma_start3A_43 = tpu.memref_slice %arg17[%dma_start3A_41] : memref<8x!tpu.dma_semaphore, #tpu.memory_space<semaphore_mem>> -> memref<1x!tpu.dma_semaphore, #tpu.memory_space<semaphore_mem>>
    %dma_start3A_44 = tpu.memref_squeeze %dma_start3A_43 : memref<1x!tpu.dma_semaphore, #tpu.memory_space<semaphore_mem>> -> memref<!tpu.dma_semaphore, #tpu.memory_space<semaphore_mem>>
    %dma_start3A_45 = tpu.memref_slice %arg5[%add3A_40] : memref<1048576xf32, #tpu.memory_space<hbm>> -> memref<4096xf32, #tpu.memory_space<hbm>>
    tpu.enqueue_dma source(%arg12 : memref<4096xf32, #tpu.memory_space<vmem>>) target(%dma_start3A_45 : memref<4096xf32, #tpu.memory_space<hbm>>) target_semaphore(%dma_start3A_44 : memref<!tpu.dma_semaphore, #tpu.memory_space<semaphore_mem>>)
    %add3A_46 = arith.constant 8192 : i32
    %add3A_47 = arith.addi %mul3A_2, %add3A_46 : i32
    %dma_start3A_48 = arith.constant 2 : i32
    %dma_start3A_49 = tpu.memref_slice %arg3[%add3A_47] : memref<1048576xi32, #tpu.memory_space<hbm>> -> memref<4096xi32, #tpu.memory_space<hbm>>
    %dma_start3A_50 = tpu.memref_slice %arg15[%dma_start3A_48] : memref<8x!tpu.dma_semaphore, #tpu.memory_space<semaphore_mem>> -> memref<1x!tpu.dma_semaphore, #tpu.memory_space<semaphore_mem>>
    %dma_start3A_51 = tpu.memref_squeeze %dma_start3A_50 : memref<1x!tpu.dma_semaphore, #tpu.memory_space<semaphore_mem>> -> memref<!tpu.dma_semaphore, #tpu.memory_space<semaphore_mem>>
    %dma_start3A_52 = tpu.memref_slice %arg3[%add3A_47] : memref<1048576xi32, #tpu.memory_space<hbm>> -> memref<4096xi32, #tpu.memory_space<hbm>>
    tpu.enqueue_dma source(%dma_start3A_52 : memref<4096xi32, #tpu.memory_space<hbm>>) target(%arg8 : memref<4096xi32, #tpu.memory_space<vmem>>) target_semaphore(%dma_start3A_51 : memref<!tpu.dma_semaphore, #tpu.memory_space<semaphore_mem>>)
    %dma_start3A_53 = arith.constant 2 : i32
    %dma_start3A_54 = tpu.memref_slice %arg2[%add3A_47] : memref<1048576xf32, #tpu.memory_space<hbm>> -> memref<4096xf32, #tpu.memory_space<hbm>>
    %dma_start3A_55 = tpu.memref_slice %arg16[%dma_start3A_53] : memref<8x!tpu.dma_semaphore, #tpu.memory_space<semaphore_mem>> -> memref<1x!tpu.dma_semaphore, #tpu.memory_space<semaphore_mem>>
    %dma_start3A_56 = tpu.memref_squeeze %dma_start3A_55 : memref<1x!tpu.dma_semaphore, #tpu.memory_space<semaphore_mem>> -> memref<!tpu.dma_semaphore, #tpu.memory_space<semaphore_mem>>
    %dma_start3A_57 = tpu.memref_slice %arg2[%add3A_47] : memref<1048576xf32, #tpu.memory_space<hbm>> -> memref<4096xf32, #tpu.memory_space<hbm>>
    tpu.enqueue_dma source(%dma_start3A_57 : memref<4096xf32, #tpu.memory_space<hbm>>) target(%arg10 : memref<4096xf32, #tpu.memory_space<vmem>>) target_semaphore(%dma_start3A_56 : memref<!tpu.dma_semaphore, #tpu.memory_space<semaphore_mem>>)
    %dma_wait3A_58 = arith.constant 1 : i32
    %dma_wait3A_59 = tpu.memref_slice %arg3[%add3A_17] : memref<1048576xi32, #tpu.memory_space<hbm>> -> memref<4096xi32, #tpu.memory_space<hbm>>
    %dma_wait3A_60 = tpu.memref_slice %arg15[%dma_wait3A_58] : memref<8x!tpu.dma_semaphore, #tpu.memory_space<semaphore_mem>> -> memref<1x!tpu.dma_semaphore, #tpu.memory_space<semaphore_mem>>
    %dma_wait3A_61 = tpu.memref_squeeze %dma_wait3A_60 : memref<1x!tpu.dma_semaphore, #tpu.memory_space<semaphore_mem>> -> memref<!tpu.dma_semaphore, #tpu.memory_space<semaphore_mem>>
    %dma_wait3A_62 = tpu.memref_slice %arg3[%add3A_17] : memref<1048576xi32, #tpu.memory_space<hbm>> -> memref<4096xi32, #tpu.memory_space<hbm>>
    tpu.wait_dma2 semaphore(%dma_wait3A_61 : memref<!tpu.dma_semaphore, #tpu.memory_space<semaphore_mem>>) src(%dma_wait3A_62 : memref<4096xi32, #tpu.memory_space<hbm>>) dst(%arg9 : memref<4096xi32, #tpu.memory_space<vmem>>)
    %dma_wait3A_63 = arith.constant 1 : i32
    %dma_wait3A_64 = tpu.memref_slice %arg2[%add3A_17] : memref<1048576xf32, #tpu.memory_space<hbm>> -> memref<4096xf32, #tpu.memory_space<hbm>>
    %dma_wait3A_65 = tpu.memref_slice %arg16[%dma_wait3A_63] : memref<8x!tpu.dma_semaphore, #tpu.memory_space<semaphore_mem>> -> memref<1x!tpu.dma_semaphore, #tpu.memory_space<semaphore_mem>>
    %dma_wait3A_66 = tpu.memref_squeeze %dma_wait3A_65 : memref<1x!tpu.dma_semaphore, #tpu.memory_space<semaphore_mem>> -> memref<!tpu.dma_semaphore, #tpu.memory_space<semaphore_mem>>
    %dma_wait3A_67 = tpu.memref_slice %arg2[%add3A_17] : memref<1048576xf32, #tpu.memory_space<hbm>> -> memref<4096xf32, #tpu.memory_space<hbm>>
    tpu.wait_dma2 semaphore(%dma_wait3A_66 : memref<!tpu.dma_semaphore, #tpu.memory_space<semaphore_mem>>) src(%dma_wait3A_67 : memref<4096xf32, #tpu.memory_space<hbm>>) dst(%arg11 : memref<4096xf32, #tpu.memory_space<vmem>>)
    %parallel_loop3A_68 = arith.constant 0 : i32
    %parallel_loop3A_69 = arith.constant 256 : i32
    %parallel_loop3A_70 = arith.constant 1 : i32
    scf.for %parallel_loop3A_298 = %parallel_loop3A_68 to %parallel_loop3A_69 step %parallel_loop3A_70  : i32 {
      %parallel_loop3A_299 = arith.constant 16 : i32
      %parallel_loop3A_300 = arith.muli %parallel_loop3A_298, %parallel_loop3A_299 : i32
      %parallel_loop3A_301 = arith.index_cast %parallel_loop3A_300 : i32 to index
      %parallel_loop3A_302 = tpu.vector_load %arg9[%parallel_loop3A_301] {strides = array<i32>} : memref<4096xi32, #tpu.memory_space<vmem>>, vector<16xi32>,
      %parallel_loop3A_303 = tpu.vector_load_idx %arg6[%parallel_loop3A_302] : memref<100000xf32, #tpu.memory_space<vmem>>[vector<16xi32>], vector<16xf32>,
      %parallel_loop3A_304 = arith.index_cast %parallel_loop3A_300 : i32 to index
      %parallel_loop3A_305 = tpu.vector_load %arg11[%parallel_loop3A_304] {strides = array<i32>} : memref<4096xf32, #tpu.memory_space<vmem>>, vector<16xf32>,
      %parallel_loop3A_306 = arith.mulf %parallel_loop3A_303, %parallel_loop3A_305 : vector<16xf32>
      %parallel_loop3A_307 = arith.index_cast %parallel_loop3A_300 : i32 to index
      %parallel_loop3A_308 = tpu.vector_load %arg13[%parallel_loop3A_307] {strides = array<i32>} : memref<4096xf32, #tpu.memory_space<vmem>>, vector<16xf32>,
      tpu.vector_store %arg13[%parallel_loop3A_307], %parallel_loop3A_306 {strides = array<i32>} : memref<4096xf32, #tpu.memory_space<vmem>>, vector<16xf32>,
    } {sc.loop_unroll_factor = 4 : i64, sc.parallel_access}
    %add3A_71 = arith.constant 4096 : i32
    %add3A_72 = arith.addi %mul3A_2, %add3A_71 : i32
    %dma_start3A_73 = arith.constant 1 : i32
    %dma_start3A_74 = tpu.memref_slice %arg5[%add3A_72] : memref<1048576xf32, #tpu.memory_space<hbm>> -> memref<4096xf32, #tpu.memory_space<hbm>>
    %dma_start3A_75 = tpu.memref_slice %arg17[%dma_start3A_73] : memref<8x!tpu.dma_semaphore, #tpu.memory_space<semaphore_mem>> -> memref<1x!tpu.dma_semaphore, #tpu.memory_space<semaphore_mem>>
    %dma_start3A_76 = tpu.memref_squeeze %dma_start3A_75 : memref<1x!tpu.dma_semaphore, #tpu.memory_space<semaphore_mem>> -> memref<!tpu.dma_semaphore, #tpu.memory_space<semaphore_mem>>
    %dma_start3A_77 = tpu.memref_slice %arg5[%add3A_72] : memref<1048576xf32, #tpu.memory_space<hbm>> -> memref<4096xf32, #tpu.memory_space<hbm>>
    tpu.enqueue_dma source(%arg13 : memref<4096xf32, #tpu.memory_space<vmem>>) target(%dma_start3A_77 : memref<4096xf32, #tpu.memory_space<hbm>>) target_semaphore(%dma_start3A_76 : memref<!tpu.dma_semaphore, #tpu.memory_space<semaphore_mem>>)
    %add3A_78 = arith.constant 12288 : i32
    %add3A_79 = arith.addi %mul3A_2, %add3A_78 : i32
    %dma_start3A_80 = arith.constant 3 : i32
    %dma_start3A_81 = tpu.memref_slice %arg3[%add3A_79] : memref<1048576xi32, #tpu.memory_space<hbm>> -> memref<4096xi32, #tpu.memory_space<hbm>>
    %dma_start3A_82 = tpu.memref_slice %arg15[%dma_start3A_80] : memref<8x!tpu.dma_semaphore, #tpu.memory_space<semaphore_mem>> -> memref<1x!tpu.dma_semaphore, #tpu.memory_space<semaphore_mem>>
    %dma_start3A_83 = tpu.memref_squeeze %dma_start3A_82 : memref<1x!tpu.dma_semaphore, #tpu.memory_space<semaphore_mem>> -> memref<!tpu.dma_semaphore, #tpu.memory_space<semaphore_mem>>
    %dma_start3A_84 = tpu.memref_slice %arg3[%add3A_79] : memref<1048576xi32, #tpu.memory_space<hbm>> -> memref<4096xi32, #tpu.memory_space<hbm>>
    tpu.enqueue_dma source(%dma_start3A_84 : memref<4096xi32, #tpu.memory_space<hbm>>) target(%arg9 : memref<4096xi32, #tpu.memory_space<vmem>>) target_semaphore(%dma_start3A_83 : memref<!tpu.dma_semaphore, #tpu.memory_space<semaphore_mem>>)
    %dma_start3A_85 = arith.constant 3 : i32
    %dma_start3A_86 = tpu.memref_slice %arg2[%add3A_79] : memref<1048576xf32, #tpu.memory_space<hbm>> -> memref<4096xf32, #tpu.memory_space<hbm>>
    %dma_start3A_87 = tpu.memref_slice %arg16[%dma_start3A_85] : memref<8x!tpu.dma_semaphore, #tpu.memory_space<semaphore_mem>> -> memref<1x!tpu.dma_semaphore, #tpu.memory_space<semaphore_mem>>
    %dma_start3A_88 = tpu.memref_squeeze %dma_start3A_87 : memref<1x!tpu.dma_semaphore, #tpu.memory_space<semaphore_mem>> -> memref<!tpu.dma_semaphore, #tpu.memory_space<semaphore_mem>>
    %dma_start3A_89 = tpu.memref_slice %arg2[%add3A_79] : memref<1048576xf32, #tpu.memory_space<hbm>> -> memref<4096xf32, #tpu.memory_space<hbm>>
    tpu.enqueue_dma source(%dma_start3A_89 : memref<4096xf32, #tpu.memory_space<hbm>>) target(%arg11 : memref<4096xf32, #tpu.memory_space<vmem>>) target_semaphore(%dma_start3A_88 : memref<!tpu.dma_semaphore, #tpu.memory_space<semaphore_mem>>)
    %dma_wait3A_90 = arith.constant 2 : i32
    %dma_wait3A_91 = tpu.memref_slice %arg3[%add3A_47] : memref<1048576xi32, #tpu.memory_space<hbm>> -> memref<4096xi32, #tpu.memory_space<hbm>>
    %dma_wait3A_92 = tpu.memref_slice %arg15[%dma_wait3A_90] : memref<8x!tpu.dma_semaphore, #tpu.memory_space<semaphore_mem>> -> memref<1x!tpu.dma_semaphore, #tpu.memory_space<semaphore_mem>>
    %dma_wait3A_93 = tpu.memref_squeeze %dma_wait3A_92 : memref<1x!tpu.dma_semaphore, #tpu.memory_space<semaphore_mem>> -> memref<!tpu.dma_semaphore, #tpu.memory_space<semaphore_mem>>
    %dma_wait3A_94 = tpu.memref_slice %arg3[%add3A_47] : memref<1048576xi32, #tpu.memory_space<hbm>> -> memref<4096xi32, #tpu.memory_space<hbm>>
    tpu.wait_dma2 semaphore(%dma_wait3A_93 : memref<!tpu.dma_semaphore, #tpu.memory_space<semaphore_mem>>) src(%dma_wait3A_94 : memref<4096xi32, #tpu.memory_space<hbm>>) dst(%arg8 : memref<4096xi32, #tpu.memory_space<vmem>>)
    %dma_wait3A_95 = arith.constant 2 : i32
    %dma_wait3A_96 = tpu.memref_slice %arg2[%add3A_47] : memref<1048576xf32, #tpu.memory_space<hbm>> -> memref<4096xf32, #tpu.memory_space<hbm>>
    %dma_wait3A_97 = tpu.memref_slice %arg16[%dma_wait3A_95] : memref<8x!tpu.dma_semaphore, #tpu.memory_space<semaphore_mem>> -> memref<1x!tpu.dma_semaphore, #tpu.memory_space<semaphore_mem>>
    %dma_wait3A_98 = tpu.memref_squeeze %dma_wait3A_97 : memref<1x!tpu.dma_semaphore, #tpu.memory_space<semaphore_mem>> -> memref<!tpu.dma_semaphore, #tpu.memory_space<semaphore_mem>>
    %dma_wait3A_99 = tpu.memref_slice %arg2[%add3A_47] : memref<1048576xf32, #tpu.memory_space<hbm>> -> memref<4096xf32, #tpu.memory_space<hbm>>
    tpu.wait_dma2 semaphore(%dma_wait3A_98 : memref<!tpu.dma_semaphore, #tpu.memory_space<semaphore_mem>>) src(%dma_wait3A_99 : memref<4096xf32, #tpu.memory_space<hbm>>) dst(%arg10 : memref<4096xf32, #tpu.memory_space<vmem>>)
    %dma_wait3A_100 = arith.constant 0 : i32
    %dma_wait3A_101 = tpu.memref_slice %arg5[%add3A_40] : memref<1048576xf32, #tpu.memory_space<hbm>> -> memref<4096xf32, #tpu.memory_space<hbm>>
    %dma_wait3A_102 = tpu.memref_slice %arg17[%dma_wait3A_100] : memref<8x!tpu.dma_semaphore, #tpu.memory_space<semaphore_mem>> -> memref<1x!tpu.dma_semaphore, #tpu.memory_space<semaphore_mem>>
    %dma_wait3A_103 = tpu.memref_squeeze %dma_wait3A_102 : memref<1x!tpu.dma_semaphore, #tpu.memory_space<semaphore_mem>> -> memref<!tpu.dma_semaphore, #tpu.memory_space<semaphore_mem>>
    %dma_wait3A_104 = tpu.memref_slice %arg5[%add3A_40] : memref<1048576xf32, #tpu.memory_space<hbm>> -> memref<4096xf32, #tpu.memory_space<hbm>>
    tpu.wait_dma2 semaphore(%dma_wait3A_103 : memref<!tpu.dma_semaphore, #tpu.memory_space<semaphore_mem>>) src(%arg12 : memref<4096xf32, #tpu.memory_space<vmem>>) dst(%dma_wait3A_104 : memref<4096xf32, #tpu.memory_space<hbm>>)
    %parallel_loop3A_105 = arith.constant 0 : i32
    %parallel_loop3A_106 = arith.constant 256 : i32
    %parallel_loop3A_107 = arith.constant 1 : i32
    scf.for %parallel_loop3A_298 = %parallel_loop3A_105 to %parallel_loop3A_106 step %parallel_loop3A_107  : i32 {
      %parallel_loop3A_299 = arith.constant 16 : i32
      %parallel_loop3A_300 = arith.muli %parallel_loop3A_298, %parallel_loop3A_299 : i32
      %parallel_loop3A_301 = arith.index_cast %parallel_loop3A_300 : i32 to index
      %parallel_loop3A_302 = tpu.vector_load %arg8[%parallel_loop3A_301] {strides = array<i32>} : memref<4096xi32, #tpu.memory_space<vmem>>, vector<16xi32>,
      %parallel_loop3A_303 = tpu.vector_load_idx %arg6[%parallel_loop3A_302] : memref<100000xf32, #tpu.memory_space<vmem>>[vector<16xi32>], vector<16xf32>,
      %parallel_loop3A_304 = arith.index_cast %parallel_loop3A_300 : i32 to index
      %parallel_loop3A_305 = tpu.vector_load %arg10[%parallel_loop3A_304] {strides = array<i32>} : memref<4096xf32, #tpu.memory_space<vmem>>, vector<16xf32>,
      %parallel_loop3A_306 = arith.mulf %parallel_loop3A_303, %parallel_loop3A_305 : vector<16xf32>
      %parallel_loop3A_307 = arith.index_cast %parallel_loop3A_300 : i32 to index
      %parallel_loop3A_308 = tpu.vector_load %arg12[%parallel_loop3A_307] {strides = array<i32>} : memref<4096xf32, #tpu.memory_space<vmem>>, vector<16xf32>,
      tpu.vector_store %arg12[%parallel_loop3A_307], %parallel_loop3A_306 {strides = array<i32>} : memref<4096xf32, #tpu.memory_space<vmem>>, vector<16xf32>,
    } {sc.loop_unroll_factor = 4 : i64, sc.parallel_access}
    %add3A_108 = arith.constant 8192 : i32
    %add3A_109 = arith.addi %mul3A_2, %add3A_108 : i32
    %dma_start3A_110 = arith.constant 2 : i32
    %dma_start3A_111 = tpu.memref_slice %arg5[%add3A_109] : memref<1048576xf32, #tpu.memory_space<hbm>> -> memref<4096xf32, #tpu.memory_space<hbm>>
    %dma_start3A_112 = tpu.memref_slice %arg17[%dma_start3A_110] : memref<8x!tpu.dma_semaphore, #tpu.memory_space<semaphore_mem>> -> memref<1x!tpu.dma_semaphore, #tpu.memory_space<semaphore_mem>>
    %dma_start3A_113 = tpu.memref_squeeze %dma_start3A_112 : memref<1x!tpu.dma_semaphore, #tpu.memory_space<semaphore_mem>> -> memref<!tpu.dma_semaphore, #tpu.memory_space<semaphore_mem>>
    %dma_start3A_114 = tpu.memref_slice %arg5[%add3A_109] : memref<1048576xf32, #tpu.memory_space<hbm>> -> memref<4096xf32, #tpu.memory_space<hbm>>
    tpu.enqueue_dma source(%arg12 : memref<4096xf32, #tpu.memory_space<vmem>>) target(%dma_start3A_114 : memref<4096xf32, #tpu.memory_space<hbm>>) target_semaphore(%dma_start3A_113 : memref<!tpu.dma_semaphore, #tpu.memory_space<semaphore_mem>>)
    %add3A_115 = arith.constant 16384 : i32
    %add3A_116 = arith.addi %mul3A_2, %add3A_115 : i32
    %dma_start3A_117 = arith.constant 4 : i32
    %dma_start3A_118 = tpu.memref_slice %arg3[%add3A_116] : memref<1048576xi32, #tpu.memory_space<hbm>> -> memref<4096xi32, #tpu.memory_space<hbm>>
    %dma_start3A_119 = tpu.memref_slice %arg15[%dma_start3A_117] : memref<8x!tpu.dma_semaphore, #tpu.memory_space<semaphore_mem>> -> memref<1x!tpu.dma_semaphore, #tpu.memory_space<semaphore_mem>>
    %dma_start3A_120 = tpu.memref_squeeze %dma_start3A_119 : memref<1x!tpu.dma_semaphore, #tpu.memory_space<semaphore_mem>> -> memref<!tpu.dma_semaphore, #tpu.memory_space<semaphore_mem>>
    %dma_start3A_121 = tpu.memref_slice %arg3[%add3A_116] : memref<1048576xi32, #tpu.memory_space<hbm>> -> memref<4096xi32, #tpu.memory_space<hbm>>
    tpu.enqueue_dma source(%dma_start3A_121 : memref<4096xi32, #tpu.memory_space<hbm>>) target(%arg8 : memref<4096xi32, #tpu.memory_space<vmem>>) target_semaphore(%dma_start3A_120 : memref<!tpu.dma_semaphore, #tpu.memory_space<semaphore_mem>>)
    %dma_start3A_122 = arith.constant 4 : i32
    %dma_start3A_123 = tpu.memref_slice %arg2[%add3A_116] : memref<1048576xf32, #tpu.memory_space<hbm>> -> memref<4096xf32, #tpu.memory_space<hbm>>
    %dma_start3A_124 = tpu.memref_slice %arg16[%dma_start3A_122] : memref<8x!tpu.dma_semaphore, #tpu.memory_space<semaphore_mem>> -> memref<1x!tpu.dma_semaphore, #tpu.memory_space<semaphore_mem>>
    %dma_start3A_125 = tpu.memref_squeeze %dma_start3A_124 : memref<1x!tpu.dma_semaphore, #tpu.memory_space<semaphore_mem>> -> memref<!tpu.dma_semaphore, #tpu.memory_space<semaphore_mem>>
    %dma_start3A_126 = tpu.memref_slice %arg2[%add3A_116] : memref<1048576xf32, #tpu.memory_space<hbm>> -> memref<4096xf32, #tpu.memory_space<hbm>>
    tpu.enqueue_dma source(%dma_start3A_126 : memref<4096xf32, #tpu.memory_space<hbm>>) target(%arg10 : memref<4096xf32, #tpu.memory_space<vmem>>) target_semaphore(%dma_start3A_125 : memref<!tpu.dma_semaphore, #tpu.memory_space<semaphore_mem>>)
    %dma_wait3A_127 = arith.constant 3 : i32
    %dma_wait3A_128 = tpu.memref_slice %arg3[%add3A_79] : memref<1048576xi32, #tpu.memory_space<hbm>> -> memref<4096xi32, #tpu.memory_space<hbm>>
    %dma_wait3A_129 = tpu.memref_slice %arg15[%dma_wait3A_127] : memref<8x!tpu.dma_semaphore, #tpu.memory_space<semaphore_mem>> -> memref<1x!tpu.dma_semaphore, #tpu.memory_space<semaphore_mem>>
    %dma_wait3A_130 = tpu.memref_squeeze %dma_wait3A_129 : memref<1x!tpu.dma_semaphore, #tpu.memory_space<semaphore_mem>> -> memref<!tpu.dma_semaphore, #tpu.memory_space<semaphore_mem>>
    %dma_wait3A_131 = tpu.memref_slice %arg3[%add3A_79] : memref<1048576xi32, #tpu.memory_space<hbm>> -> memref<4096xi32, #tpu.memory_space<hbm>>
    tpu.wait_dma2 semaphore(%dma_wait3A_130 : memref<!tpu.dma_semaphore, #tpu.memory_space<semaphore_mem>>) src(%dma_wait3A_131 : memref<4096xi32, #tpu.memory_space<hbm>>) dst(%arg9 : memref<4096xi32, #tpu.memory_space<vmem>>)
    %dma_wait3A_132 = arith.constant 3 : i32
    %dma_wait3A_133 = tpu.memref_slice %arg2[%add3A_79] : memref<1048576xf32, #tpu.memory_space<hbm>> -> memref<4096xf32, #tpu.memory_space<hbm>>
    %dma_wait3A_134 = tpu.memref_slice %arg16[%dma_wait3A_132] : memref<8x!tpu.dma_semaphore, #tpu.memory_space<semaphore_mem>> -> memref<1x!tpu.dma_semaphore, #tpu.memory_space<semaphore_mem>>
    %dma_wait3A_135 = tpu.memref_squeeze %dma_wait3A_134 : memref<1x!tpu.dma_semaphore, #tpu.memory_space<semaphore_mem>> -> memref<!tpu.dma_semaphore, #tpu.memory_space<semaphore_mem>>
    %dma_wait3A_136 = tpu.memref_slice %arg2[%add3A_79] : memref<1048576xf32, #tpu.memory_space<hbm>> -> memref<4096xf32, #tpu.memory_space<hbm>>
    tpu.wait_dma2 semaphore(%dma_wait3A_135 : memref<!tpu.dma_semaphore, #tpu.memory_space<semaphore_mem>>) src(%dma_wait3A_136 : memref<4096xf32, #tpu.memory_space<hbm>>) dst(%arg11 : memref<4096xf32, #tpu.memory_space<vmem>>)
    %dma_wait3A_137 = arith.constant 1 : i32
    %dma_wait3A_138 = tpu.memref_slice %arg5[%add3A_72] : memref<1048576xf32, #tpu.memory_space<hbm>> -> memref<4096xf32, #tpu.memory_space<hbm>>
    %dma_wait3A_139 = tpu.memref_slice %arg17[%dma_wait3A_137] : memref<8x!tpu.dma_semaphore, #tpu.memory_space<semaphore_mem>> -> memref<1x!tpu.dma_semaphore, #tpu.memory_space<semaphore_mem>>
    %dma_wait3A_140 = tpu.memref_squeeze %dma_wait3A_139 : memref<1x!tpu.dma_semaphore, #tpu.memory_space<semaphore_mem>> -> memref<!tpu.dma_semaphore, #tpu.memory_space<semaphore_mem>>
    %dma_wait3A_141 = tpu.memref_slice %arg5[%add3A_72] : memref<1048576xf32, #tpu.memory_space<hbm>> -> memref<4096xf32, #tpu.memory_space<hbm>>
    tpu.wait_dma2 semaphore(%dma_wait3A_140 : memref<!tpu.dma_semaphore, #tpu.memory_space<semaphore_mem>>) src(%arg13 : memref<4096xf32, #tpu.memory_space<vmem>>) dst(%dma_wait3A_141 : memref<4096xf32, #tpu.memory_space<hbm>>)
    %parallel_loop3A_142 = arith.constant 0 : i32
    %parallel_loop3A_143 = arith.constant 256 : i32
    %parallel_loop3A_144 = arith.constant 1 : i32
    scf.for %parallel_loop3A_298 = %parallel_loop3A_142 to %parallel_loop3A_143 step %parallel_loop3A_144  : i32 {
      %parallel_loop3A_299 = arith.constant 16 : i32
      %parallel_loop3A_300 = arith.muli %parallel_loop3A_298, %parallel_loop3A_299 : i32
      %parallel_loop3A_301 = arith.index_cast %parallel_loop3A_300 : i32 to index
      %parallel_loop3A_302 = tpu.vector_load %arg9[%parallel_loop3A_301] {strides = array<i32>} : memref<4096xi32, #tpu.memory_space<vmem>>, vector<16xi32>,
      %parallel_loop3A_303 = tpu.vector_load_idx %arg6[%parallel_loop3A_302] : memref<100000xf32, #tpu.memory_space<vmem>>[vector<16xi32>], vector<16xf32>,
      %parallel_loop3A_304 = arith.index_cast %parallel_loop3A_300 : i32 to index
      %parallel_loop3A_305 = tpu.vector_load %arg11[%parallel_loop3A_304] {strides = array<i32>} : memref<4096xf32, #tpu.memory_space<vmem>>, vector<16xf32>,
      %parallel_loop3A_306 = arith.mulf %parallel_loop3A_303, %parallel_loop3A_305 : vector<16xf32>
      %parallel_loop3A_307 = arith.index_cast %parallel_loop3A_300 : i32 to index
      %parallel_loop3A_308 = tpu.vector_load %arg13[%parallel_loop3A_307] {strides = array<i32>} : memref<4096xf32, #tpu.memory_space<vmem>>, vector<16xf32>,
      tpu.vector_store %arg13[%parallel_loop3A_307], %parallel_loop3A_306 {strides = array<i32>} : memref<4096xf32, #tpu.memory_space<vmem>>, vector<16xf32>,
    } {sc.loop_unroll_factor = 4 : i64, sc.parallel_access}
    %add3A_145 = arith.constant 12288 : i32
    %add3A_146 = arith.addi %mul3A_2, %add3A_145 : i32
    %dma_start3A_147 = arith.constant 3 : i32
    %dma_start3A_148 = tpu.memref_slice %arg5[%add3A_146] : memref<1048576xf32, #tpu.memory_space<hbm>> -> memref<4096xf32, #tpu.memory_space<hbm>>
    %dma_start3A_149 = tpu.memref_slice %arg17[%dma_start3A_147] : memref<8x!tpu.dma_semaphore, #tpu.memory_space<semaphore_mem>> -> memref<1x!tpu.dma_semaphore, #tpu.memory_space<semaphore_mem>>
    %dma_start3A_150 = tpu.memref_squeeze %dma_start3A_149 : memref<1x!tpu.dma_semaphore, #tpu.memory_space<semaphore_mem>> -> memref<!tpu.dma_semaphore, #tpu.memory_space<semaphore_mem>>
    %dma_start3A_151 = tpu.memref_slice %arg5[%add3A_146] : memref<1048576xf32, #tpu.memory_space<hbm>> -> memref<4096xf32, #tpu.memory_space<hbm>>
    tpu.enqueue_dma source(%arg13 : memref<4096xf32, #tpu.memory_space<vmem>>) target(%dma_start3A_151 : memref<4096xf32, #tpu.memory_space<hbm>>) target_semaphore(%dma_start3A_150 : memref<!tpu.dma_semaphore, #tpu.memory_space<semaphore_mem>>)
    %add3A_152 = arith.constant 20480 : i32
    %add3A_153 = arith.addi %mul3A_2, %add3A_152 : i32
    %dma_start3A_154 = arith.constant 5 : i32
    %dma_start3A_155 = tpu.memref_slice %arg3[%add3A_153] : memref<1048576xi32, #tpu.memory_space<hbm>> -> memref<4096xi32, #tpu.memory_space<hbm>>
    %dma_start3A_156 = tpu.memref_slice %arg15[%dma_start3A_154] : memref<8x!tpu.dma_semaphore, #tpu.memory_space<semaphore_mem>> -> memref<1x!tpu.dma_semaphore, #tpu.memory_space<semaphore_mem>>
    %dma_start3A_157 = tpu.memref_squeeze %dma_start3A_156 : memref<1x!tpu.dma_semaphore, #tpu.memory_space<semaphore_mem>> -> memref<!tpu.dma_semaphore, #tpu.memory_space<semaphore_mem>>
    %dma_start3A_158 = tpu.memref_slice %arg3[%add3A_153] : memref<1048576xi32, #tpu.memory_space<hbm>> -> memref<4096xi32, #tpu.memory_space<hbm>>
    tpu.enqueue_dma source(%dma_start3A_158 : memref<4096xi32, #tpu.memory_space<hbm>>) target(%arg9 : memref<4096xi32, #tpu.memory_space<vmem>>) target_semaphore(%dma_start3A_157 : memref<!tpu.dma_semaphore, #tpu.memory_space<semaphore_mem>>)
    %dma_start3A_159 = arith.constant 5 : i32
    %dma_start3A_160 = tpu.memref_slice %arg2[%add3A_153] : memref<1048576xf32, #tpu.memory_space<hbm>> -> memref<4096xf32, #tpu.memory_space<hbm>>
    %dma_start3A_161 = tpu.memref_slice %arg16[%dma_start3A_159] : memref<8x!tpu.dma_semaphore, #tpu.memory_space<semaphore_mem>> -> memref<1x!tpu.dma_semaphore, #tpu.memory_space<semaphore_mem>>
    %dma_start3A_162 = tpu.memref_squeeze %dma_start3A_161 : memref<1x!tpu.dma_semaphore, #tpu.memory_space<semaphore_mem>> -> memref<!tpu.dma_semaphore, #tpu.memory_space<semaphore_mem>>
    %dma_start3A_163 = tpu.memref_slice %arg2[%add3A_153] : memref<1048576xf32, #tpu.memory_space<hbm>> -> memref<4096xf32, #tpu.memory_space<hbm>>
    tpu.enqueue_dma source(%dma_start3A_163 : memref<4096xf32, #tpu.memory_space<hbm>>) target(%arg11 : memref<4096xf32, #tpu.memory_space<vmem>>) target_semaphore(%dma_start3A_162 : memref<!tpu.dma_semaphore, #tpu.memory_space<semaphore_mem>>)
    %dma_wait3A_164 = arith.constant 4 : i32
    %dma_wait3A_165 = tpu.memref_slice %arg3[%add3A_116] : memref<1048576xi32, #tpu.memory_space<hbm>> -> memref<4096xi32, #tpu.memory_space<hbm>>
    %dma_wait3A_166 = tpu.memref_slice %arg15[%dma_wait3A_164] : memref<8x!tpu.dma_semaphore, #tpu.memory_space<semaphore_mem>> -> memref<1x!tpu.dma_semaphore, #tpu.memory_space<semaphore_mem>>
    %dma_wait3A_167 = tpu.memref_squeeze %dma_wait3A_166 : memref<1x!tpu.dma_semaphore, #tpu.memory_space<semaphore_mem>> -> memref<!tpu.dma_semaphore, #tpu.memory_space<semaphore_mem>>
    %dma_wait3A_168 = tpu.memref_slice %arg3[%add3A_116] : memref<1048576xi32, #tpu.memory_space<hbm>> -> memref<4096xi32, #tpu.memory_space<hbm>>
    tpu.wait_dma2 semaphore(%dma_wait3A_167 : memref<!tpu.dma_semaphore, #tpu.memory_space<semaphore_mem>>) src(%dma_wait3A_168 : memref<4096xi32, #tpu.memory_space<hbm>>) dst(%arg8 : memref<4096xi32, #tpu.memory_space<vmem>>)
    %dma_wait3A_169 = arith.constant 4 : i32
    %dma_wait3A_170 = tpu.memref_slice %arg2[%add3A_116] : memref<1048576xf32, #tpu.memory_space<hbm>> -> memref<4096xf32, #tpu.memory_space<hbm>>
    %dma_wait3A_171 = tpu.memref_slice %arg16[%dma_wait3A_169] : memref<8x!tpu.dma_semaphore, #tpu.memory_space<semaphore_mem>> -> memref<1x!tpu.dma_semaphore, #tpu.memory_space<semaphore_mem>>
    %dma_wait3A_172 = tpu.memref_squeeze %dma_wait3A_171 : memref<1x!tpu.dma_semaphore, #tpu.memory_space<semaphore_mem>> -> memref<!tpu.dma_semaphore, #tpu.memory_space<semaphore_mem>>
    %dma_wait3A_173 = tpu.memref_slice %arg2[%add3A_116] : memref<1048576xf32, #tpu.memory_space<hbm>> -> memref<4096xf32, #tpu.memory_space<hbm>>
    tpu.wait_dma2 semaphore(%dma_wait3A_172 : memref<!tpu.dma_semaphore, #tpu.memory_space<semaphore_mem>>) src(%dma_wait3A_173 : memref<4096xf32, #tpu.memory_space<hbm>>) dst(%arg10 : memref<4096xf32, #tpu.memory_space<vmem>>)
    %dma_wait3A_174 = arith.constant 2 : i32
    %dma_wait3A_175 = tpu.memref_slice %arg5[%add3A_109] : memref<1048576xf32, #tpu.memory_space<hbm>> -> memref<4096xf32, #tpu.memory_space<hbm>>
    %dma_wait3A_176 = tpu.memref_slice %arg17[%dma_wait3A_174] : memref<8x!tpu.dma_semaphore, #tpu.memory_space<semaphore_mem>> -> memref<1x!tpu.dma_semaphore, #tpu.memory_space<semaphore_mem>>
    %dma_wait3A_177 = tpu.memref_squeeze %dma_wait3A_176 : memref<1x!tpu.dma_semaphore, #tpu.memory_space<semaphore_mem>> -> memref<!tpu.dma_semaphore, #tpu.memory_space<semaphore_mem>>
    %dma_wait3A_178 = tpu.memref_slice %arg5[%add3A_109] : memref<1048576xf32, #tpu.memory_space<hbm>> -> memref<4096xf32, #tpu.memory_space<hbm>>
    tpu.wait_dma2 semaphore(%dma_wait3A_177 : memref<!tpu.dma_semaphore, #tpu.memory_space<semaphore_mem>>) src(%arg12 : memref<4096xf32, #tpu.memory_space<vmem>>) dst(%dma_wait3A_178 : memref<4096xf32, #tpu.memory_space<hbm>>)
    %parallel_loop3A_179 = arith.constant 0 : i32
    %parallel_loop3A_180 = arith.constant 256 : i32
    %parallel_loop3A_181 = arith.constant 1 : i32
    scf.for %parallel_loop3A_298 = %parallel_loop3A_179 to %parallel_loop3A_180 step %parallel_loop3A_181  : i32 {
      %parallel_loop3A_299 = arith.constant 16 : i32
      %parallel_loop3A_300 = arith.muli %parallel_loop3A_298, %parallel_loop3A_299 : i32
      %parallel_loop3A_301 = arith.index_cast %parallel_loop3A_300 : i32 to index
      %parallel_loop3A_302 = tpu.vector_load %arg8[%parallel_loop3A_301] {strides = array<i32>} : memref<4096xi32, #tpu.memory_space<vmem>>, vector<16xi32>,
      %parallel_loop3A_303 = tpu.vector_load_idx %arg6[%parallel_loop3A_302] : memref<100000xf32, #tpu.memory_space<vmem>>[vector<16xi32>], vector<16xf32>,
      %parallel_loop3A_304 = arith.index_cast %parallel_loop3A_300 : i32 to index
      %parallel_loop3A_305 = tpu.vector_load %arg10[%parallel_loop3A_304] {strides = array<i32>} : memref<4096xf32, #tpu.memory_space<vmem>>, vector<16xf32>,
      %parallel_loop3A_306 = arith.mulf %parallel_loop3A_303, %parallel_loop3A_305 : vector<16xf32>
      %parallel_loop3A_307 = arith.index_cast %parallel_loop3A_300 : i32 to index
      %parallel_loop3A_308 = tpu.vector_load %arg12[%parallel_loop3A_307] {strides = array<i32>} : memref<4096xf32, #tpu.memory_space<vmem>>, vector<16xf32>,
      tpu.vector_store %arg12[%parallel_loop3A_307], %parallel_loop3A_306 {strides = array<i32>} : memref<4096xf32, #tpu.memory_space<vmem>>, vector<16xf32>,
    } {sc.loop_unroll_factor = 4 : i64, sc.parallel_access}
    %add3A_182 = arith.constant 16384 : i32
    %add3A_183 = arith.addi %mul3A_2, %add3A_182 : i32
    %dma_start3A_184 = arith.constant 4 : i32
    %dma_start3A_185 = tpu.memref_slice %arg5[%add3A_183] : memref<1048576xf32, #tpu.memory_space<hbm>> -> memref<4096xf32, #tpu.memory_space<hbm>>
    %dma_start3A_186 = tpu.memref_slice %arg17[%dma_start3A_184] : memref<8x!tpu.dma_semaphore, #tpu.memory_space<semaphore_mem>> -> memref<1x!tpu.dma_semaphore, #tpu.memory_space<semaphore_mem>>
    %dma_start3A_187 = tpu.memref_squeeze %dma_start3A_186 : memref<1x!tpu.dma_semaphore, #tpu.memory_space<semaphore_mem>> -> memref<!tpu.dma_semaphore, #tpu.memory_space<semaphore_mem>>
    %dma_start3A_188 = tpu.memref_slice %arg5[%add3A_183] : memref<1048576xf32, #tpu.memory_space<hbm>> -> memref<4096xf32, #tpu.memory_space<hbm>>
    tpu.enqueue_dma source(%arg12 : memref<4096xf32, #tpu.memory_space<vmem>>) target(%dma_start3A_188 : memref<4096xf32, #tpu.memory_space<hbm>>) target_semaphore(%dma_start3A_187 : memref<!tpu.dma_semaphore, #tpu.memory_space<semaphore_mem>>)
    %add3A_189 = arith.constant 24576 : i32
    %add3A_190 = arith.addi %mul3A_2, %add3A_189 : i32
    %dma_start3A_191 = arith.constant 6 : i32
    %dma_start3A_192 = tpu.memref_slice %arg3[%add3A_190] : memref<1048576xi32, #tpu.memory_space<hbm>> -> memref<4096xi32, #tpu.memory_space<hbm>>
    %dma_start3A_193 = tpu.memref_slice %arg15[%dma_start3A_191] : memref<8x!tpu.dma_semaphore, #tpu.memory_space<semaphore_mem>> -> memref<1x!tpu.dma_semaphore, #tpu.memory_space<semaphore_mem>>
    %dma_start3A_194 = tpu.memref_squeeze %dma_start3A_193 : memref<1x!tpu.dma_semaphore, #tpu.memory_space<semaphore_mem>> -> memref<!tpu.dma_semaphore, #tpu.memory_space<semaphore_mem>>
    %dma_start3A_195 = tpu.memref_slice %arg3[%add3A_190] : memref<1048576xi32, #tpu.memory_space<hbm>> -> memref<4096xi32, #tpu.memory_space<hbm>>
    tpu.enqueue_dma source(%dma_start3A_195 : memref<4096xi32, #tpu.memory_space<hbm>>) target(%arg8 : memref<4096xi32, #tpu.memory_space<vmem>>) target_semaphore(%dma_start3A_194 : memref<!tpu.dma_semaphore, #tpu.memory_space<semaphore_mem>>)
    %dma_start3A_196 = arith.constant 6 : i32
    %dma_start3A_197 = tpu.memref_slice %arg2[%add3A_190] : memref<1048576xf32, #tpu.memory_space<hbm>> -> memref<4096xf32, #tpu.memory_space<hbm>>
    %dma_start3A_198 = tpu.memref_slice %arg16[%dma_start3A_196] : memref<8x!tpu.dma_semaphore, #tpu.memory_space<semaphore_mem>> -> memref<1x!tpu.dma_semaphore, #tpu.memory_space<semaphore_mem>>
    %dma_start3A_199 = tpu.memref_squeeze %dma_start3A_198 : memref<1x!tpu.dma_semaphore, #tpu.memory_space<semaphore_mem>> -> memref<!tpu.dma_semaphore, #tpu.memory_space<semaphore_mem>>
    %dma_start3A_200 = tpu.memref_slice %arg2[%add3A_190] : memref<1048576xf32, #tpu.memory_space<hbm>> -> memref<4096xf32, #tpu.memory_space<hbm>>
    tpu.enqueue_dma source(%dma_start3A_200 : memref<4096xf32, #tpu.memory_space<hbm>>) target(%arg10 : memref<4096xf32, #tpu.memory_space<vmem>>) target_semaphore(%dma_start3A_199 : memref<!tpu.dma_semaphore, #tpu.memory_space<semaphore_mem>>)
    %dma_wait3A_201 = arith.constant 5 : i32
    %dma_wait3A_202 = tpu.memref_slice %arg3[%add3A_153] : memref<1048576xi32, #tpu.memory_space<hbm>> -> memref<4096xi32, #tpu.memory_space<hbm>>
    %dma_wait3A_203 = tpu.memref_slice %arg15[%dma_wait3A_201] : memref<8x!tpu.dma_semaphore, #tpu.memory_space<semaphore_mem>> -> memref<1x!tpu.dma_semaphore, #tpu.memory_space<semaphore_mem>>
    %dma_wait3A_204 = tpu.memref_squeeze %dma_wait3A_203 : memref<1x!tpu.dma_semaphore, #tpu.memory_space<semaphore_mem>> -> memref<!tpu.dma_semaphore, #tpu.memory_space<semaphore_mem>>
    %dma_wait3A_205 = tpu.memref_slice %arg3[%add3A_153] : memref<1048576xi32, #tpu.memory_space<hbm>> -> memref<4096xi32, #tpu.memory_space<hbm>>
    tpu.wait_dma2 semaphore(%dma_wait3A_204 : memref<!tpu.dma_semaphore, #tpu.memory_space<semaphore_mem>>) src(%dma_wait3A_205 : memref<4096xi32, #tpu.memory_space<hbm>>) dst(%arg9 : memref<4096xi32, #tpu.memory_space<vmem>>)
    %dma_wait3A_206 = arith.constant 5 : i32
    %dma_wait3A_207 = tpu.memref_slice %arg2[%add3A_153] : memref<1048576xf32, #tpu.memory_space<hbm>> -> memref<4096xf32, #tpu.memory_space<hbm>>
    %dma_wait3A_208 = tpu.memref_slice %arg16[%dma_wait3A_206] : memref<8x!tpu.dma_semaphore, #tpu.memory_space<semaphore_mem>> -> memref<1x!tpu.dma_semaphore, #tpu.memory_space<semaphore_mem>>
    %dma_wait3A_209 = tpu.memref_squeeze %dma_wait3A_208 : memref<1x!tpu.dma_semaphore, #tpu.memory_space<semaphore_mem>> -> memref<!tpu.dma_semaphore, #tpu.memory_space<semaphore_mem>>
    %dma_wait3A_210 = tpu.memref_slice %arg2[%add3A_153] : memref<1048576xf32, #tpu.memory_space<hbm>> -> memref<4096xf32, #tpu.memory_space<hbm>>
    tpu.wait_dma2 semaphore(%dma_wait3A_209 : memref<!tpu.dma_semaphore, #tpu.memory_space<semaphore_mem>>) src(%dma_wait3A_210 : memref<4096xf32, #tpu.memory_space<hbm>>) dst(%arg11 : memref<4096xf32, #tpu.memory_space<vmem>>)
    %dma_wait3A_211 = arith.constant 3 : i32
    %dma_wait3A_212 = tpu.memref_slice %arg5[%add3A_146] : memref<1048576xf32, #tpu.memory_space<hbm>> -> memref<4096xf32, #tpu.memory_space<hbm>>
    %dma_wait3A_213 = tpu.memref_slice %arg17[%dma_wait3A_211] : memref<8x!tpu.dma_semaphore, #tpu.memory_space<semaphore_mem>> -> memref<1x!tpu.dma_semaphore, #tpu.memory_space<semaphore_mem>>
    %dma_wait3A_214 = tpu.memref_squeeze %dma_wait3A_213 : memref<1x!tpu.dma_semaphore, #tpu.memory_space<semaphore_mem>> -> memref<!tpu.dma_semaphore, #tpu.memory_space<semaphore_mem>>
    %dma_wait3A_215 = tpu.memref_slice %arg5[%add3A_146] : memref<1048576xf32, #tpu.memory_space<hbm>> -> memref<4096xf32, #tpu.memory_space<hbm>>
    tpu.wait_dma2 semaphore(%dma_wait3A_214 : memref<!tpu.dma_semaphore, #tpu.memory_space<semaphore_mem>>) src(%arg13 : memref<4096xf32, #tpu.memory_space<vmem>>) dst(%dma_wait3A_215 : memref<4096xf32, #tpu.memory_space<hbm>>)
    %parallel_loop3A_216 = arith.constant 0 : i32
    %parallel_loop3A_217 = arith.constant 256 : i32
    %parallel_loop3A_218 = arith.constant 1 : i32
    scf.for %parallel_loop3A_298 = %parallel_loop3A_216 to %parallel_loop3A_217 step %parallel_loop3A_218  : i32 {
      %parallel_loop3A_299 = arith.constant 16 : i32
      %parallel_loop3A_300 = arith.muli %parallel_loop3A_298, %parallel_loop3A_299 : i32
      %parallel_loop3A_301 = arith.index_cast %parallel_loop3A_300 : i32 to index
      %parallel_loop3A_302 = tpu.vector_load %arg9[%parallel_loop3A_301] {strides = array<i32>} : memref<4096xi32, #tpu.memory_space<vmem>>, vector<16xi32>,
      %parallel_loop3A_303 = tpu.vector_load_idx %arg6[%parallel_loop3A_302] : memref<100000xf32, #tpu.memory_space<vmem>>[vector<16xi32>], vector<16xf32>,
      %parallel_loop3A_304 = arith.index_cast %parallel_loop3A_300 : i32 to index
      %parallel_loop3A_305 = tpu.vector_load %arg11[%parallel_loop3A_304] {strides = array<i32>} : memref<4096xf32, #tpu.memory_space<vmem>>, vector<16xf32>,
      %parallel_loop3A_306 = arith.mulf %parallel_loop3A_303, %parallel_loop3A_305 : vector<16xf32>
      %parallel_loop3A_307 = arith.index_cast %parallel_loop3A_300 : i32 to index
      %parallel_loop3A_308 = tpu.vector_load %arg13[%parallel_loop3A_307] {strides = array<i32>} : memref<4096xf32, #tpu.memory_space<vmem>>, vector<16xf32>,
      tpu.vector_store %arg13[%parallel_loop3A_307], %parallel_loop3A_306 {strides = array<i32>} : memref<4096xf32, #tpu.memory_space<vmem>>, vector<16xf32>,
    } {sc.loop_unroll_factor = 4 : i64, sc.parallel_access}
    %add3A_219 = arith.constant 20480 : i32
    %add3A_220 = arith.addi %mul3A_2, %add3A_219 : i32
    %dma_start3A_221 = arith.constant 5 : i32
    %dma_start3A_222 = tpu.memref_slice %arg5[%add3A_220] : memref<1048576xf32, #tpu.memory_space<hbm>> -> memref<4096xf32, #tpu.memory_space<hbm>>
    %dma_start3A_223 = tpu.memref_slice %arg17[%dma_start3A_221] : memref<8x!tpu.dma_semaphore, #tpu.memory_space<semaphore_mem>> -> memref<1x!tpu.dma_semaphore, #tpu.memory_space<semaphore_mem>>
    %dma_start3A_224 = tpu.memref_squeeze %dma_start3A_223 : memref<1x!tpu.dma_semaphore, #tpu.memory_space<semaphore_mem>> -> memref<!tpu.dma_semaphore, #tpu.memory_space<semaphore_mem>>
    %dma_start3A_225 = tpu.memref_slice %arg5[%add3A_220] : memref<1048576xf32, #tpu.memory_space<hbm>> -> memref<4096xf32, #tpu.memory_space<hbm>>
    tpu.enqueue_dma source(%arg13 : memref<4096xf32, #tpu.memory_space<vmem>>) target(%dma_start3A_225 : memref<4096xf32, #tpu.memory_space<hbm>>) target_semaphore(%dma_start3A_224 : memref<!tpu.dma_semaphore, #tpu.memory_space<semaphore_mem>>)
    %add3A_226 = arith.constant 28672 : i32
    %add3A_227 = arith.addi %mul3A_2, %add3A_226 : i32
    %dma_start3A_228 = arith.constant 7 : i32
    %dma_start3A_229 = tpu.memref_slice %arg3[%add3A_227] : memref<1048576xi32, #tpu.memory_space<hbm>> -> memref<4096xi32, #tpu.memory_space<hbm>>
    %dma_start3A_230 = tpu.memref_slice %arg15[%dma_start3A_228] : memref<8x!tpu.dma_semaphore, #tpu.memory_space<semaphore_mem>> -> memref<1x!tpu.dma_semaphore, #tpu.memory_space<semaphore_mem>>
    %dma_start3A_231 = tpu.memref_squeeze %dma_start3A_230 : memref<1x!tpu.dma_semaphore, #tpu.memory_space<semaphore_mem>> -> memref<!tpu.dma_semaphore, #tpu.memory_space<semaphore_mem>>
    %dma_start3A_232 = tpu.memref_slice %arg3[%add3A_227] : memref<1048576xi32, #tpu.memory_space<hbm>> -> memref<4096xi32, #tpu.memory_space<hbm>>
    tpu.enqueue_dma source(%dma_start3A_232 : memref<4096xi32, #tpu.memory_space<hbm>>) target(%arg9 : memref<4096xi32, #tpu.memory_space<vmem>>) target_semaphore(%dma_start3A_231 : memref<!tpu.dma_semaphore, #tpu.memory_space<semaphore_mem>>)
    %dma_start3A_233 = arith.constant 7 : i32
    %dma_start3A_234 = tpu.memref_slice %arg2[%add3A_227] : memref<1048576xf32, #tpu.memory_space<hbm>> -> memref<4096xf32, #tpu.memory_space<hbm>>
    %dma_start3A_235 = tpu.memref_slice %arg16[%dma_start3A_233] : memref<8x!tpu.dma_semaphore, #tpu.memory_space<semaphore_mem>> -> memref<1x!tpu.dma_semaphore, #tpu.memory_space<semaphore_mem>>
    %dma_start3A_236 = tpu.memref_squeeze %dma_start3A_235 : memref<1x!tpu.dma_semaphore, #tpu.memory_space<semaphore_mem>> -> memref<!tpu.dma_semaphore, #tpu.memory_space<semaphore_mem>>
    %dma_start3A_237 = tpu.memref_slice %arg2[%add3A_227] : memref<1048576xf32, #tpu.memory_space<hbm>> -> memref<4096xf32, #tpu.memory_space<hbm>>
    tpu.enqueue_dma source(%dma_start3A_237 : memref<4096xf32, #tpu.memory_space<hbm>>) target(%arg11 : memref<4096xf32, #tpu.memory_space<vmem>>) target_semaphore(%dma_start3A_236 : memref<!tpu.dma_semaphore, #tpu.memory_space<semaphore_mem>>)
    %dma_wait3A_238 = arith.constant 6 : i32
    %dma_wait3A_239 = tpu.memref_slice %arg3[%add3A_190] : memref<1048576xi32, #tpu.memory_space<hbm>> -> memref<4096xi32, #tpu.memory_space<hbm>>
    %dma_wait3A_240 = tpu.memref_slice %arg15[%dma_wait3A_238] : memref<8x!tpu.dma_semaphore, #tpu.memory_space<semaphore_mem>> -> memref<1x!tpu.dma_semaphore, #tpu.memory_space<semaphore_mem>>
    %dma_wait3A_241 = tpu.memref_squeeze %dma_wait3A_240 : memref<1x!tpu.dma_semaphore, #tpu.memory_space<semaphore_mem>> -> memref<!tpu.dma_semaphore, #tpu.memory_space<semaphore_mem>>
    %dma_wait3A_242 = tpu.memref_slice %arg3[%add3A_190] : memref<1048576xi32, #tpu.memory_space<hbm>> -> memref<4096xi32, #tpu.memory_space<hbm>>
    tpu.wait_dma2 semaphore(%dma_wait3A_241 : memref<!tpu.dma_semaphore, #tpu.memory_space<semaphore_mem>>) src(%dma_wait3A_242 : memref<4096xi32, #tpu.memory_space<hbm>>) dst(%arg8 : memref<4096xi32, #tpu.memory_space<vmem>>)
    %dma_wait3A_243 = arith.constant 6 : i32
    %dma_wait3A_244 = tpu.memref_slice %arg2[%add3A_190] : memref<1048576xf32, #tpu.memory_space<hbm>> -> memref<4096xf32, #tpu.memory_space<hbm>>
    %dma_wait3A_245 = tpu.memref_slice %arg16[%dma_wait3A_243] : memref<8x!tpu.dma_semaphore, #tpu.memory_space<semaphore_mem>> -> memref<1x!tpu.dma_semaphore, #tpu.memory_space<semaphore_mem>>
    %dma_wait3A_246 = tpu.memref_squeeze %dma_wait3A_245 : memref<1x!tpu.dma_semaphore, #tpu.memory_space<semaphore_mem>> -> memref<!tpu.dma_semaphore, #tpu.memory_space<semaphore_mem>>
    %dma_wait3A_247 = tpu.memref_slice %arg2[%add3A_190] : memref<1048576xf32, #tpu.memory_space<hbm>> -> memref<4096xf32, #tpu.memory_space<hbm>>
    tpu.wait_dma2 semaphore(%dma_wait3A_246 : memref<!tpu.dma_semaphore, #tpu.memory_space<semaphore_mem>>) src(%dma_wait3A_247 : memref<4096xf32, #tpu.memory_space<hbm>>) dst(%arg10 : memref<4096xf32, #tpu.memory_space<vmem>>)
    %dma_wait3A_248 = arith.constant 4 : i32
    %dma_wait3A_249 = tpu.memref_slice %arg5[%add3A_183] : memref<1048576xf32, #tpu.memory_space<hbm>> -> memref<4096xf32, #tpu.memory_space<hbm>>
    %dma_wait3A_250 = tpu.memref_slice %arg17[%dma_wait3A_248] : memref<8x!tpu.dma_semaphore, #tpu.memory_space<semaphore_mem>> -> memref<1x!tpu.dma_semaphore, #tpu.memory_space<semaphore_mem>>
    %dma_wait3A_251 = tpu.memref_squeeze %dma_wait3A_250 : memref<1x!tpu.dma_semaphore, #tpu.memory_space<semaphore_mem>> -> memref<!tpu.dma_semaphore, #tpu.memory_space<semaphore_mem>>
    %dma_wait3A_252 = tpu.memref_slice %arg5[%add3A_183] : memref<1048576xf32, #tpu.memory_space<hbm>> -> memref<4096xf32, #tpu.memory_space<hbm>>
    tpu.wait_dma2 semaphore(%dma_wait3A_251 : memref<!tpu.dma_semaphore, #tpu.memory_space<semaphore_mem>>) src(%arg12 : memref<4096xf32, #tpu.memory_space<vmem>>) dst(%dma_wait3A_252 : memref<4096xf32, #tpu.memory_space<hbm>>)
    %parallel_loop3A_253 = arith.constant 0 : i32
    %parallel_loop3A_254 = arith.constant 256 : i32
    %parallel_loop3A_255 = arith.constant 1 : i32
    scf.for %parallel_loop3A_298 = %parallel_loop3A_253 to %parallel_loop3A_254 step %parallel_loop3A_255  : i32 {
      %parallel_loop3A_299 = arith.constant 16 : i32
      %parallel_loop3A_300 = arith.muli %parallel_loop3A_298, %parallel_loop3A_299 : i32
      %parallel_loop3A_301 = arith.index_cast %parallel_loop3A_300 : i32 to index
      %parallel_loop3A_302 = tpu.vector_load %arg8[%parallel_loop3A_301] {strides = array<i32>} : memref<4096xi32, #tpu.memory_space<vmem>>, vector<16xi32>,
      %parallel_loop3A_303 = tpu.vector_load_idx %arg6[%parallel_loop3A_302] : memref<100000xf32, #tpu.memory_space<vmem>>[vector<16xi32>], vector<16xf32>,
      %parallel_loop3A_304 = arith.index_cast %parallel_loop3A_300 : i32 to index
      %parallel_loop3A_305 = tpu.vector_load %arg10[%parallel_loop3A_304] {strides = array<i32>} : memref<4096xf32, #tpu.memory_space<vmem>>, vector<16xf32>,
      %parallel_loop3A_306 = arith.mulf %parallel_loop3A_303, %parallel_loop3A_305 : vector<16xf32>
      %parallel_loop3A_307 = arith.index_cast %parallel_loop3A_300 : i32 to index
      %parallel_loop3A_308 = tpu.vector_load %arg12[%parallel_loop3A_307] {strides = array<i32>} : memref<4096xf32, #tpu.memory_space<vmem>>, vector<16xf32>,
      tpu.vector_store %arg12[%parallel_loop3A_307], %parallel_loop3A_306 {strides = array<i32>} : memref<4096xf32, #tpu.memory_space<vmem>>, vector<16xf32>,
    } {sc.loop_unroll_factor = 4 : i64, sc.parallel_access}
    %add3A_256 = arith.constant 24576 : i32
    %add3A_257 = arith.addi %mul3A_2, %add3A_256 : i32
    %dma_start3A_258 = arith.constant 6 : i32
    %dma_start3A_259 = tpu.memref_slice %arg5[%add3A_257] : memref<1048576xf32, #tpu.memory_space<hbm>> -> memref<4096xf32, #tpu.memory_space<hbm>>
    %dma_start3A_260 = tpu.memref_slice %arg17[%dma_start3A_258] : memref<8x!tpu.dma_semaphore, #tpu.memory_space<semaphore_mem>> -> memref<1x!tpu.dma_semaphore, #tpu.memory_space<semaphore_mem>>
    %dma_start3A_261 = tpu.memref_squeeze %dma_start3A_260 : memref<1x!tpu.dma_semaphore, #tpu.memory_space<semaphore_mem>> -> memref<!tpu.dma_semaphore, #tpu.memory_space<semaphore_mem>>
    %dma_start3A_262 = tpu.memref_slice %arg5[%add3A_257] : memref<1048576xf32, #tpu.memory_space<hbm>> -> memref<4096xf32, #tpu.memory_space<hbm>>
    tpu.enqueue_dma source(%arg12 : memref<4096xf32, #tpu.memory_space<vmem>>) target(%dma_start3A_262 : memref<4096xf32, #tpu.memory_space<hbm>>) target_semaphore(%dma_start3A_261 : memref<!tpu.dma_semaphore, #tpu.memory_space<semaphore_mem>>)
    %dma_wait3A_263 = arith.constant 7 : i32
    %dma_wait3A_264 = tpu.memref_slice %arg3[%add3A_227] : memref<1048576xi32, #tpu.memory_space<hbm>> -> memref<4096xi32, #tpu.memory_space<hbm>>
    %dma_wait3A_265 = tpu.memref_slice %arg15[%dma_wait3A_263] : memref<8x!tpu.dma_semaphore, #tpu.memory_space<semaphore_mem>> -> memref<1x!tpu.dma_semaphore, #tpu.memory_space<semaphore_mem>>
    %dma_wait3A_266 = tpu.memref_squeeze %dma_wait3A_265 : memref<1x!tpu.dma_semaphore, #tpu.memory_space<semaphore_mem>> -> memref<!tpu.dma_semaphore, #tpu.memory_space<semaphore_mem>>
    %dma_wait3A_267 = tpu.memref_slice %arg3[%add3A_227] : memref<1048576xi32, #tpu.memory_space<hbm>> -> memref<4096xi32, #tpu.memory_space<hbm>>
    tpu.wait_dma2 semaphore(%dma_wait3A_266 : memref<!tpu.dma_semaphore, #tpu.memory_space<semaphore_mem>>) src(%dma_wait3A_267 : memref<4096xi32, #tpu.memory_space<hbm>>) dst(%arg9 : memref<4096xi32, #tpu.memory_space<vmem>>)
    %dma_wait3A_268 = arith.constant 7 : i32
    %dma_wait3A_269 = tpu.memref_slice %arg2[%add3A_227] : memref<1048576xf32, #tpu.memory_space<hbm>> -> memref<4096xf32, #tpu.memory_space<hbm>>
    %dma_wait3A_270 = tpu.memref_slice %arg16[%dma_wait3A_268] : memref<8x!tpu.dma_semaphore, #tpu.memory_space<semaphore_mem>> -> memref<1x!tpu.dma_semaphore, #tpu.memory_space<semaphore_mem>>
    %dma_wait3A_271 = tpu.memref_squeeze %dma_wait3A_270 : memref<1x!tpu.dma_semaphore, #tpu.memory_space<semaphore_mem>> -> memref<!tpu.dma_semaphore, #tpu.memory_space<semaphore_mem>>
    %dma_wait3A_272 = tpu.memref_slice %arg2[%add3A_227] : memref<1048576xf32, #tpu.memory_space<hbm>> -> memref<4096xf32, #tpu.memory_space<hbm>>
    tpu.wait_dma2 semaphore(%dma_wait3A_271 : memref<!tpu.dma_semaphore, #tpu.memory_space<semaphore_mem>>) src(%dma_wait3A_272 : memref<4096xf32, #tpu.memory_space<hbm>>) dst(%arg11 : memref<4096xf32, #tpu.memory_space<vmem>>)
    %dma_wait3A_273 = arith.constant 5 : i32
    %dma_wait3A_274 = tpu.memref_slice %arg5[%add3A_220] : memref<1048576xf32, #tpu.memory_space<hbm>> -> memref<4096xf32, #tpu.memory_space<hbm>>
    %dma_wait3A_275 = tpu.memref_slice %arg17[%dma_wait3A_273] : memref<8x!tpu.dma_semaphore, #tpu.memory_space<semaphore_mem>> -> memref<1x!tpu.dma_semaphore, #tpu.memory_space<semaphore_mem>>
    %dma_wait3A_276 = tpu.memref_squeeze %dma_wait3A_275 : memref<1x!tpu.dma_semaphore, #tpu.memory_space<semaphore_mem>> -> memref<!tpu.dma_semaphore, #tpu.memory_space<semaphore_mem>>
    %dma_wait3A_277 = tpu.memref_slice %arg5[%add3A_220] : memref<1048576xf32, #tpu.memory_space<hbm>> -> memref<4096xf32, #tpu.memory_space<hbm>>
    tpu.wait_dma2 semaphore(%dma_wait3A_276 : memref<!tpu.dma_semaphore, #tpu.memory_space<semaphore_mem>>) src(%arg13 : memref<4096xf32, #tpu.memory_space<vmem>>) dst(%dma_wait3A_277 : memref<4096xf32, #tpu.memory_space<hbm>>)
    %parallel_loop3A_278 = arith.constant 0 : i32
    %parallel_loop3A_279 = arith.constant 256 : i32
    %parallel_loop3A_280 = arith.constant 1 : i32
    scf.for %parallel_loop3A_298 = %parallel_loop3A_278 to %parallel_loop3A_279 step %parallel_loop3A_280  : i32 {
      %parallel_loop3A_299 = arith.constant 16 : i32
      %parallel_loop3A_300 = arith.muli %parallel_loop3A_298, %parallel_loop3A_299 : i32
      %parallel_loop3A_301 = arith.index_cast %parallel_loop3A_300 : i32 to index
      %parallel_loop3A_302 = tpu.vector_load %arg9[%parallel_loop3A_301] {strides = array<i32>} : memref<4096xi32, #tpu.memory_space<vmem>>, vector<16xi32>,
      %parallel_loop3A_303 = tpu.vector_load_idx %arg6[%parallel_loop3A_302] : memref<100000xf32, #tpu.memory_space<vmem>>[vector<16xi32>], vector<16xf32>,
      %parallel_loop3A_304 = arith.index_cast %parallel_loop3A_300 : i32 to index
      %parallel_loop3A_305 = tpu.vector_load %arg11[%parallel_loop3A_304] {strides = array<i32>} : memref<4096xf32, #tpu.memory_space<vmem>>, vector<16xf32>,
      %parallel_loop3A_306 = arith.mulf %parallel_loop3A_303, %parallel_loop3A_305 : vector<16xf32>
      %parallel_loop3A_307 = arith.index_cast %parallel_loop3A_300 : i32 to index
      %parallel_loop3A_308 = tpu.vector_load %arg13[%parallel_loop3A_307] {strides = array<i32>} : memref<4096xf32, #tpu.memory_space<vmem>>, vector<16xf32>,
      tpu.vector_store %arg13[%parallel_loop3A_307], %parallel_loop3A_306 {strides = array<i32>} : memref<4096xf32, #tpu.memory_space<vmem>>, vector<16xf32>,
    } {sc.loop_unroll_factor = 4 : i64, sc.parallel_access}
    %add3A_281 = arith.constant 28672 : i32
    %add3A_282 = arith.addi %mul3A_2, %add3A_281 : i32
    %dma_start3A_283 = arith.constant 7 : i32
    %dma_start3A_284 = tpu.memref_slice %arg5[%add3A_282] : memref<1048576xf32, #tpu.memory_space<hbm>> -> memref<4096xf32, #tpu.memory_space<hbm>>
    %dma_start3A_285 = tpu.memref_slice %arg17[%dma_start3A_283] : memref<8x!tpu.dma_semaphore, #tpu.memory_space<semaphore_mem>> -> memref<1x!tpu.dma_semaphore, #tpu.memory_space<semaphore_mem>>
    %dma_start3A_286 = tpu.memref_squeeze %dma_start3A_285 : memref<1x!tpu.dma_semaphore, #tpu.memory_space<semaphore_mem>> -> memref<!tpu.dma_semaphore, #tpu.memory_space<semaphore_mem>>
    %dma_start3A_287 = tpu.memref_slice %arg5[%add3A_282] : memref<1048576xf32, #tpu.memory_space<hbm>> -> memref<4096xf32, #tpu.memory_space<hbm>>
    tpu.enqueue_dma source(%arg13 : memref<4096xf32, #tpu.memory_space<vmem>>) target(%dma_start3A_287 : memref<4096xf32, #tpu.memory_space<hbm>>) target_semaphore(%dma_start3A_286 : memref<!tpu.dma_semaphore, #tpu.memory_space<semaphore_mem>>)
    %dma_wait3A_288 = arith.constant 6 : i32
    %dma_wait3A_289 = tpu.memref_slice %arg5[%add3A_257] : memref<1048576xf32, #tpu.memory_space<hbm>> -> memref<4096xf32, #tpu.memory_space<hbm>>
    %dma_wait3A_290 = tpu.memref_slice %arg17[%dma_wait3A_288] : memref<8x!tpu.dma_semaphore, #tpu.memory_space<semaphore_mem>> -> memref<1x!tpu.dma_semaphore, #tpu.memory_space<semaphore_mem>>
    %dma_wait3A_291 = tpu.memref_squeeze %dma_wait3A_290 : memref<1x!tpu.dma_semaphore, #tpu.memory_space<semaphore_mem>> -> memref<!tpu.dma_semaphore, #tpu.memory_space<semaphore_mem>>
    %dma_wait3A_292 = tpu.memref_slice %arg5[%add3A_257] : memref<1048576xf32, #tpu.memory_space<hbm>> -> memref<4096xf32, #tpu.memory_space<hbm>>
    tpu.wait_dma2 semaphore(%dma_wait3A_291 : memref<!tpu.dma_semaphore, #tpu.memory_space<semaphore_mem>>) src(%arg12 : memref<4096xf32, #tpu.memory_space<vmem>>) dst(%dma_wait3A_292 : memref<4096xf32, #tpu.memory_space<hbm>>)
    %dma_wait3A_293 = arith.constant 7 : i32
    %dma_wait3A_294 = tpu.memref_slice %arg5[%add3A_282] : memref<1048576xf32, #tpu.memory_space<hbm>> -> memref<4096xf32, #tpu.memory_space<hbm>>
    %dma_wait3A_295 = tpu.memref_slice %arg17[%dma_wait3A_293] : memref<8x!tpu.dma_semaphore, #tpu.memory_space<semaphore_mem>> -> memref<1x!tpu.dma_semaphore, #tpu.memory_space<semaphore_mem>>
    %dma_wait3A_296 = tpu.memref_squeeze %dma_wait3A_295 : memref<1x!tpu.dma_semaphore, #tpu.memory_space<semaphore_mem>> -> memref<!tpu.dma_semaphore, #tpu.memory_space<semaphore_mem>>
    %dma_wait3A_297 = tpu.memref_slice %arg5[%add3A_282] : memref<1048576xf32, #tpu.memory_space<hbm>> -> memref<4096xf32, #tpu.memory_space<hbm>>
    tpu.wait_dma2 semaphore(%dma_wait3A_296 : memref<!tpu.dma_semaphore, #tpu.memory_space<semaphore_mem>>) src(%arg13 : memref<4096xf32, #tpu.memory_space<vmem>>) dst(%dma_wait3A_297 : memref<4096xf32, #tpu.memory_space<hbm>>)
    return
  }
}

</mosaic_0001>

<sc_bundles>
// kernel: kernel.3.cloned.1.call-start
scs
__scs_entry_jumppad:
0x0: {  	(pc) =	sbr.rel $0x88, $3  }
0x1: {  	(tag) =	ssettag $0x0;
	lr =	simm.s32 $0x1  }
0x2: {  	[smem:$0x3F9E] =	sst lr;
	_ =	strace $0xD0000000  }
0x3: {  	_ = 	snop  }
0x4: {  	_ = 	snop  }
0x5: {  	_ = 	snop  }
0x6: {  	_ = 	snop  }
0x7: {  	_ = 	snop  }
__scs_overlays_trampoline_lowered:
0x8: {  	[smem:$0x3FAD] =	sst s0  }
0x9: {  	[smem:$0x3FAE] =	sst s1  }
0xa: {  	[smem:$0x3FAF] =	sst s2  }
0xb: {  	[smem:$0x3FB0] =	sst s3  }
0xc: {  	[smem:$0x3FB1] =	sst s4  }
0xd: {  	[smem:$0x3FB2] =	sst s5  }
0xe: {  	[smem:$0x3FB3] =	sst s6  }
0xf: {  	[smem:$0x3FB4] =	sst s7  }
0x10: {  	[smem:$0x3FB5] =	sst s8  }
0x11: {  	[smem:$0x3FB6] =	sst s9;
	s0 =	simm.s32 @!p0 $0x0  }
0x12: {  	s1 =	sld [smem:$0x3F9C];
	s0 =	simm.s32 @p0 $0x1  }
0x13: {  	[smem:$0x3FB7] =	sst s0;
	s0 =	simm.s32 @!p1 $0x0  }
0x14: {  	s2 =	sld [smem:$0x3F9B];
	s0 =	simm.s32 @p1 $0x1  }
0x15: {  	[smem:$0x3FB8] =	sst s0;
	s0 =	simm.s32 @!p2 $0x0  }
0x16: {  	s3 =	sld [smem:$0x3FDB];
	s0 =	simm.s32 @p2 $0x1  }
0x17: {  	s4 =	simm.s32 $0x1BF5;
	[smem:$0x3FBA] =	sst s0  }
0x18: {  	s0 =	sld [smem:$0x3F9D];
	_ =	swait.ge [sflag:s4], $0x0  }
0x19: {  	s7 =	sld [smem:$0x3F9E]  }
0x1a: {  	s8 =	sadd.s32 $0xFFFFE003, lr  }
0x1b: {  	s9 =	sadd.s32 $0xFFFFFEF7, lr;
	s5 =	simm.s32 $0xFFFFFFFF;
	p2 =	slt.u32 s8, $0xFFFFF086  }
0x1c: {  	p1 =	slt.u32 s9, $0xF7A;
	s5 =	simm.s32 @!p2 $0x0  }
0x1d: {  	s5 =	simm.s32 @p1 $0x1;
	p0 =	seq.s32 s7, s2  }
0x1e: {  	s7 =	smul.u32 @!p0 $0xF7A, s2;
	p2 =	seq.s32 @!p0 s5, $0x0  }
0x1f: {  	s9 =	smul.u32 $0xF7A, s1;
	s8 =	simm.s32 @!p0 $0x1BF5;
	p2 =	por !p2, p0  }
0x20: {  	[sflag:s8] =	ssyncset.s32 @!p0 $0xFFFFF086;
	s6 =	sadd.s32 @!p0 s3, s7;
	s7 =	simm.s32 @!p0 $0x108  }
0x21: {  	s3 =	sadd.s32 s3, s9;
	s6 =	sadd.s32 @!p0 $0x88, s6;
	s7 =	simm.s32 @p2 $0x1082  }
0x22: {  	[simem:s7], [sflag:s8] =	dma.local @!p0 [hbm:s6], $0xF7A  }
0x23: {  	s9 =	sor.u32 $0xD0000000, s2;
	s6 =	simm.s32 $0x108;
	_ =	swait.ge @!p0 [sflag:s8], $0x0  }
0x24: {  	s3 =	sadd.s32 $0x88, s3;
	s6 =	simm.s32 @!p1 $0x1082;
	[sflag:s4] =	ssyncset.s32 $0xFFFFF086  }
0x25: {  	[simem:s6], [sflag:s4] =	dma.local [hbm:s3], $0xF7A  }
0x26: {  	[smem:$0x3F9E] =	sst s1;
	(tag) =	ssettag s2;
	_ =	strace s9  }
0x27: {  	s1 =	sld [smem:$0x3FAE]  }
0x28: {  	s2 =	sld [smem:$0x3FAF]  }
0x29: {  	s4 =	sld [smem:$0x3FB1]  }
0x2a: {  	p0 =	seq.s32 s5, $0x0;
	s5 =	sld [smem:$0x3FB2]  }
0x2b: {  	s6 =	sld [smem:$0x3FB3]  }
0x2c: {  	s7 =	sld [smem:$0x3FB4]  }
0x2d: {  	s3 =	simm.s32 $0x108;
	s8 =	sld [smem:$0x3FB5]  }
0x2e: {  	s3 =	simm.s32 @!p0 $0x1082;
	s9 =	sld [smem:$0x3FB6]  }
0x2f: {  	lr =	sadd.s32 s0, s3;
	s0 =	sld [smem:$0x3FAD]  }
0x30: {  	s3 =	sld [smem:$0x3FB0]  }
0x31: {  	[smem:$0x3FB9] =	sst s10  }
0x32: {  	s10 =	sld [smem:$0x3FB7];
	_ =	sdelay $0x3  }
0x33: {  	p0 =	seq.s32 s10, $0x1;
	s10 =	sld [smem:$0x3FB9];
	_ =	sdelay $0x3  }
0x34: {  	[smem:$0x3FB9] =	sst s10  }
0x35: {  	s10 =	sld [smem:$0x3FB8];
	_ =	sdelay $0x3  }
0x36: {  	p1 =	seq.s32 s10, $0x1;
	s10 =	sld [smem:$0x3FB9];
	_ =	sdelay $0x3  }
0x37: {  	[smem:$0x3FB9] =	sst s10  }
0x38: {  	s10 =	sld [smem:$0x3FBA]  }
0x39: {  	_ = 	snop;
	(pc) =	sbr.ind lr, $3  }
0x3a: {  	_ = 	snop  }
0x3b: {  	_ = 	snop  }
0x3c: {  	p2 =	seq.s32 s10, $0x1;
	s10 =	sld [smem:$0x3FB9]  }
0x3d: {  	_ =	shalt  }
0x3e: {  	_ =	shalt  }
0x3f: {  	_ =	shalt  }
0x40: {  	_ =	shalt  }
0x41: {  	_ =	shalt  }
0x42: {  	_ =	shalt  }
0x43: {  	_ =	shalt  }
0x44: {  	_ =	shalt  }
0x45: {  	_ =	shalt  }
0x46: {  	_ =	shalt  }
0x47: {  	_ =	shalt  }
0x48: {  	_ =	shalt  }
0x49: {  	_ =	shalt  }
0x4a: {  	_ =	shalt  }
0x4b: {  	_ =	shalt  }
0x4c: {  	_ =	shalt  }
0x4d: {  	_ =	shalt  }
0x4e: {  	_ =	shalt  }
0x4f: {  	_ =	shalt  }
0x50: {  	_ =	shalt  }
0x51: {  	_ =	shalt  }
0x52: {  	_ =	shalt  }
0x53: {  	_ =	shalt  }
0x54: {  	_ =	shalt  }
0x55: {  	_ =	shalt  }
0x56: {  	_ =	shalt  }
0x57: {  	_ =	shalt  }
0x58: {  	_ =	shalt  }
0x59: {  	_ =	shalt  }
0x5a: {  	_ =	shalt  }
0x5b: {  	_ =	shalt  }
0x5c: {  	_ =	shalt  }
0x5d: {  	_ =	shalt  }
0x5e: {  	_ =	shalt  }
0x5f: {  	_ =	shalt  }
0x60: {  	_ =	shalt  }
0x61: {  	_ =	shalt  }
0x62: {  	_ =	shalt  }
0x63: {  	_ =	shalt  }
0x64: {  	_ =	shalt  }
0x65: {  	_ =	shalt  }
0x66: {  	_ =	shalt  }
0x67: {  	_ =	shalt  }
0x68: {  	_ =	shalt  }
0x69: {  	_ =	shalt  }
0x6a: {  	_ =	shalt  }
0x6b: {  	_ =	shalt  }
0x6c: {  	_ =	shalt  }
0x6d: {  	_ =	shalt  }
0x6e: {  	_ =	shalt  }
0x6f: {  	_ =	shalt  }
0x70: {  	_ =	shalt  }
0x71: {  	_ =	shalt  }
0x72: {  	_ =	shalt  }
0x73: {  	_ =	shalt  }
0x74: {  	_ =	shalt  }
0x75: {  	_ =	shalt  }
0x76: {  	_ =	shalt  }
0x77: {  	_ =	shalt  }
0x78: {  	_ =	shalt  }
0x79: {  	_ =	shalt  }
0x7a: {  	_ =	shalt  }
0x7b: {  	_ =	shalt  }
0x7c: {  	_ =	shalt  }
0x7d: {  	_ =	shalt  }
0x7e: {  	_ =	shalt  }
0x7f: {  	_ =	shalt  }
0x80: {  	_ =	shalt  }
0x81: {  	_ =	shalt  }
0x82: {  	_ =	shalt  }
0x83: {  	_ =	shalt  }
0x84: {  	_ =	shalt  }
0x85: {  	_ =	shalt  }
0x86: {  	_ =	shalt  }
0x87: {  	_ =	shalt  }
.Lfunc_end0:
.L_simem_size_0:
called_computation_lowered:
.L_overlay_start_0:
0x88: {  	s2 =	sld [smem:$0x3FD9]  }
0x89: {  	s3 =	sld [smem:$0x3FFE];
	_ =	sdelay $0x1  }
0x8a: {  	s1 =	srdreg.scid  }
0x8b: {  	s0 =	sand.u32 $0x1, s1  }
0x8c: {  	s18 =	sshll.u32 s0, $0xA;
	s2 =	sadd.s32 s3, s2  }
0x8d: {  	s2 =	sadd.s32 s2, s18  }
0x8e: {  	[smem:$0x3FC5] =	sst s2  }
0x8f: {  	_ = 	snop  }
0x90: {  	s2 =	sld [smem:$0x3FC9]  }
0x91: {  	s19 =	sld [smem:$0x3FC8]  }
0x92: {  	s4 =	sld [smem:$0x3FC7]  }
0x93: {  	s5 =	sld [smem:$0x3FD0];
	(tm) =	ssettm $0x1  }
0x94: {  	s6 =	sld [smem:$0x3FFB];
	_ =	sdelay $0x3  }
0x95: {  	_ =	strace s6  }
0x96: {  	s6 =	sld [smem:$0x3FFC];
	_ =	sdelay $0x3  }
0x97: {  	_ =	strace s6  }
0x98: {  	s6 =	sld [smem:$0x3FFD];
	_ =	sdelay $0x3  }
0x99: {  	_ =	strace s6  }
0x9a: {  	_ =	strace $0x8FFFFFFF  }
0x9b: {  	s20 =	sld [smem:$0x3FDB];
	_ =	sdelay $0x1  }
0x9c: {  	s7 =	simm.s32 $_scs_section_size  }
0x9d: {  	s8 =	simm.s32 $_size__tile_overlayer_lowered;
	s9 =	simm.s32 $_tile_overlayer_lowered  }
0x9e: {  	s23 =	simm.s32 $0x1BFF;
	s22 =	sshll.u32 s9, $0x1;
	s6 =	sadd.s32 s7, s20  }
0x9f: {  	s10 =	simm.s32 $0x0;
	s21 =	sshll.u32 s8, $0x1;
	s8 =	sadd.s32 s22, s6  }
0xa0: {  	[timem:s10], [sflag:s23] =	dma.local [hbm:s8], s21  }
0xa1: {  	_ =	swait.ge [sflag:s23], s21  }
0xa2: {  	s7 =	ssub.s32 $0x0, s21;
	[sflag:s23] =	ssyncset.done $0x0  }
0xa3: {  	[sflag:s23] =	ssyncadd.s32 s7;
	_ =	sdelay $0x1  }
0xa4: {  	s24 =	simm.s32 $0x1B8B  }
0xa5: {  	_ =	swait.ge [sflag:s24], $0x1  }
0xa6: {  	[sflag:s24] =	ssyncset.done $0x0  }
0xa7: {  	s25 =	simm.s32 $0x1B8E;
	[sflag:s24] =	ssyncadd.s32 $0xFFFFFFFF  }
0xa8: {  	s26 =	simm.s32 $execute0_lowered;
	[smem:$0x3FD2] =	sst s25  }
0xa9: {  	s7 =	sshll.u32 s26, $0x1;
	_ =	strace $0x80000046;
	[dreg:$0x1] =	wrdreg $0xFFFFFFFF  }
0xaa: {  	s28 =	simm.s32 $_size_execute0_lowered;
	s6 =	sadd.s32 s6, s7;
	[dreg:$0x0] =	wrdreg $0x0  }
0xab: {  	s7 =	sshll.u32 s28, $0x1;
	[dreg:$0x2] =	wrdreg s6  }
0xac: {  	[dreg:$0x3] =	wrdreg s7  }
0xad: {  	[dreg:$0x4] =	wrdreg $0xC0  }
0xae: {  	_ =	task [dreg:s10], $0x5FFFF  }
0xaf: {  	[dreg:$0x1] =	wrdreg $0xFFFFFFFF  }
0xb0: {  	[dreg:$0x0] =	wrdreg $0x60  }
0xb1: {  	[dreg:$0x2] =	wrdreg s2  }
0xb2: {  	[dreg:$0x3] =	wrdreg s19  }
0xb3: {  	[dreg:$0x4] =	wrdreg s4  }
0xb4: {  	[dreg:$0x5] =	wrdreg s5  }
0xb5: {  	[dreg:$0x6] =	wrdreg $0x187000  }
0xb6: {  	[dreg:$0x7] =	wrdreg $0x9  }
0xb7: {  	_ =	task.clear_ibuf [dreg:s10], $0x8FFFF;
	_ =	strace $0x90000046  }
0xb8: {  	s29 =	simm.s32 $0x9;
	_ =	strace $0x80000048  }
0xb9: {  	_ =	swait.ge [sflag:s29], $0x1  }
0xba: {  	[sflag:s29] =	ssyncadd.s32 $0xFFFFFFFF  }
0xbb: {  	_ =	strace $0x90000048  }
0xbc: {  	_ =	sfence  }
0xbd: {  	s30 =	sld [smem:$0x0];
	_ =	sdelay $0x2  }
0xbe: {  	s31 =	sshll.u32 s1, $0xD;
	s1 =	sshrl.u32 s1, $0x2  }
0xbf: {  	s3 =	sand.u32 $0x4000, s31;
	s1 =	sadd.s32 s1, s30  }
0xc0: {  	s0 =	sor.u32 s3, s0;
	s1 =	sshll.u32 s1, $0x11  }
0xc1: {  	s0 =	sor.u32 s1, s0  }
0xc2: {  	s0 =	sadd.s32 $0x8F2B, s0  }
0xc3: {  	[sflag:s0] =	ssyncadd.remote.s32 $0x1  }
0xc4: {  	_ =	sfence.sel $0xFFFF  }
0xc5: {  	[dreg:$0x0] =	wrdreg $0xFFFFFFFF;
	(pc) =	sbr.abs _section_cstart, $3  }
0xc6: {  	[dreg:$0x1] =	wrdreg $0xFFFFFFFF  }
0xc7: {  	_ =	task.clear_ibuf [dreg:s10], $0x2FFFF;
	_ =	strace $0x9FFFFFFF  }
0xc8: {  	(tm) =	ssettm $0x7FFFFFFF  }
0xc9: {  	_ =	shalt  }
tec
execute0_lowered:
.L_overlay_start_1:
0x0: {  	(tag) =	ssettag $0x1  }
0x1: {  	s1 =	rddreg [dreg:$0x0]  }
0x2: {  	s2 =	rddreg [dreg:$0x1];
	s0 =	srdreg.scid  }
0x3: {  	s3 =	rddreg [dreg:$0x3];
	s5 =	stileid.u32;
	s4 =	sand.u32 $0x1, s0  }
0x4: {  	s8 =	sshll.u32 s5, $0xD;
	s6 =	ssub.s32 $0x2, s4;
	s4 =	sshll.u32 s4, $0xC  }
0x5: {  	s30 =	simm.s32 $0x19F70;
	s0 =	simm.s32 $0x0;
	s4 =	sor.u32 s4, s8  }
0x6: {  	s31 =	simm.s32 $0x1BF70;
	[smem:$0x7FF] =	sst s0;
	s21 =	sadd.s32 s2, s4  }
0x7: {  	s28 =	simm.s32 $0x17;
	s22 =	sadd.s32 s1, s4;
	[dreg:$0x6] =	wrdreg s21  }
0x8: {  	s23 =	sor.u32 $0x200, s4;
	s9 =	sadd.s32 s3, s4;
	[dreg:$0x7] =	wrdreg s22  }
0x9: {  	s7 =	sshrl.u32 s6, $0x1;
	s24 =	sadd.s32 s2, s23;
	[dreg:$0xa] =	wrdreg s9  }
0xa: {  	s26 =	sor.u32 $0x400, s4;
	s25 =	sadd.s32 s1, s23;
	[dreg:$0x8] =	wrdreg s24  }
0xb: {  	s6 =	ssub.s32 s6, s7;
	s10 =	sadd.s32 s2, s26;
	[dreg:$0x9] =	wrdreg s25  }
0xc: {  	s11 =	sor.u32 $0x600, s4;
	s7 =	sadd.s32 s3, s23;
	[dreg:$0xb] =	wrdreg s10  }
0xd: {  	s29 =	simm.s32 $0x18;
	s12 =	sadd.s32 s2, s11;
	[dreg:$0xd] =	wrdreg s7  }
0xe: {  	p0 =	sne.s32 s5, $0x0;
	s13 =	sadd.s32 s1, s11;
	[dreg:$0xe] =	wrdreg s12  }
0xf: {  	s15 =	sor.u32 $0x800, s4;
	s14 =	sadd.s32 s3, s26;
	[dreg:$0xf] =	wrdreg s13  }
0x10: {  	s18 =	sor.u32 $0xA00, s4;
	s16 =	sadd.s32 s2, s15;
	[dreg:$0x10] =	wrdreg s14  }
0x11: {  	s17 =	sadd.s32 s1, s15;
	s9 =	sadd.s32 s3, s11;
	[dreg:$0x11] =	wrdreg s16  }
0x12: {  	s19 =	sadd.s32 s2, s18;
	s20 =	sadd.s32 s1, s18;
	[dreg:$0x12] =	wrdreg s17  }
0x13: {  	s21 =	sor.u32 $0xC00, s4;
	s8 =	sadd.s32 s3, s18;
	[dreg:$0x13] =	wrdreg s9  }
0x14: {  	s4 =	sor.u32 $0xE00, s4;
	s11 =	simm.s32 $0x5;
	[dreg:$0x14] =	wrdreg s19  }
0x15: {  	s18 =	simm.s32 $0x15;
	s10 =	sadd.s32 s1, s26;
	[dreg:$0x15] =	wrdreg s20  }
0x16: {  	s7 =	sadd.s32 s3, s15;
	[dreg:$0x17] =	wrdreg s8;
	s22 =	sadd.s32 s2, s21  }
0x17: {  	s2 =	sadd.s32 s2, s4;
	s23 =	sadd.s32 s1, s21;
	s1 =	sadd.s32 s1, s4  }
0x18: {  	s24 =	sadd.s32 s3, s21;
	s25 =	sadd.s32 s3, s4;
	[dreg:$0xc] =	wrdreg s10  }
0x19: {  	s26 =	smax.u32 s6, $0x1;
	s21 =	simm.s32 $0x1AF70;
	[dreg:$0x16] =	wrdreg s7  }
0x1a: {  	s19 =	simm.s32 $0x1CF70;
	s4 =	simm.s32 $0x1DF70;
	[dreg:$0x18] =	wrdreg s22  }
0x1b: {  	s9 =	simm.s32 $0xC;
	s12 =	simm.s32 $0x13;
	[dreg:$0x19] =	wrdreg s2  }
0x1c: {  	s13 =	simm.s32 $0x6;
	s14 =	simm.s32 $0xE;
	[dreg:$0x1a] =	wrdreg s23  }
0x1d: {  	s15 =	simm.s32 $0x14;
	s16 =	simm.s32 $0x7;
	[dreg:$0x1b] =	wrdreg s1  }
0x1e: {  	s17 =	simm.s32 $0xF;
	s20 =	simm.s32 $0x8;
	[dreg:$0x1c] =	wrdreg s24  }
0x1f: {  	[dreg:$0x1d] =	wrdreg s25;
	s7 =	simm.s32 $0x1EF70;
	s10 =	simm.s32 $0x12  }
0x20: {  	s23 =	simm.s32 $0xD;
	s22 =	simm.s32 $0x10;
	s24 =	simm.s32 $0x16  }
0x21: {  	s25 =	simm.s32 $0x9;
	s1 =	simm.s32 $0x19;
	s2 =	simm.s32 $0x0  }
0x22: {  	_ =	strace $0x80000047;
	[dreg:$0x1e] =	wrdreg s26;
	s26 =	simm.s32 $0x11  }
.LBB2_1:
0x23: {  	s8 =	rddreg [dreg:$0x4]  }
0x24: {  	s5 =	simm.s32 @!p0 $0x1C1A;
	s6 =	rddreg [dreg:$0x2];
	s3 =	sshrl.u32 @!p0 s8, $0x3  }
0x25: {  	[spmem:s3], [sflag:s5] =	dma.local @!p0 [hbm:s6], $0x30E0  }
0x26: {  	s3 =	simm.s32 @!p0 $0x1A  }
0x27: {  	_ =	swait.ge @!p0 [sflag:s3], $0x30E0  }
0x28: {  	[sflag:s3] =	ssyncset.done @!p0 $0x0  }
0x29: {  	s5 =	rddreg [dreg:$0x6];
	[sflag:s3] =	ssyncadd.s32 @!p0 $0xFFFFCF20  }
0x2a: {  	[tilespmem:s30], [sflag:$0x2] =	stream.linear.gather [hbm4b:s5+s0], $0x1000, $0x38;
	[tilespmem:$0x1FF70] =	vst v63  }
0x2b: {  	s6 =	rddreg [dreg:$0x7]  }
0x2c: {  	[tilespmem:s31], [sflag:$0xA] =	stream.linear.gather [hbm4b:s6+s0], $0x1000, $0x38;
	[tilespmem:$0x1FF70] =	vst v63  }
0x2d: {  	s5 =	rddreg [dreg:$0x8]  }
0x2e: {  	[tilespmem:s21], [sflag:$0x3] =	stream.linear.gather [hbm4b:s5+s0], $0x1000, $0x38;
	[tilespmem:$0x1FF70] =	vst v63  }
0x2f: {  	s6 =	rddreg [dreg:$0x9]  }
0x30: {  	[tilespmem:s19], [sflag:$0xB] =	stream.linear.gather [hbm4b:s6+s0], $0x1000, $0x38;
	[tilespmem:$0x1FF70] =	vst v63  }
0x31: {  	s5 =	simm.s32 $0x1;
	[bflag:$0x0] =	sbarrier.arrive $0xFFFF  }
0x32: {  	[tilespmem:s0], [sflag:$0x1] =	stream.linear.gather [spmem:s8], $0x18700, $0x38;
	[tilespmem:$0x1FF70] =	vst v63  }
0x33: {  	_ =	swait.ge [sflag:s5], $0x18700  }
0x34: {  	[sflag:s5] =	ssyncset.done $0x0  }
0x35: {  	s6 =	simm.s32 $0x2;
	[sflag:s5] =	ssyncadd.s32 $0xFFFE7900  }
0x36: {  	_ =	swait.ge [sflag:s6], $0x1000  }
0x37: {  	[sflag:s6] =	ssyncset.done $0x0  }
0x38: {  	s8 =	simm.s32 $0xA;
	[sflag:s6] =	ssyncadd.s32 $0xFFFFF000  }
0x39: {  	_ =	swait.ge [sflag:s8], $0x1000  }
0x3a: {  	[sflag:s8] =	ssyncset.done $0x0  }
0x3b: {  	s5 =	simm.s32 $0x19F90;
	[sflag:s8] =	ssyncadd.s32 $0xFFFFF000  }
0x3c: {  	v0 =	vld [tilespmem:s5+$0x10]  }
0x3d: {  	v1 =	vld [tilespmem:s5+$0xFFFFFFF0]  }
0x3e: {  	v2 =	vld [tilespmem:s5+$0xFFFFFFE0]  }
0x3f: {  	s6 =	simm.s32 $0x1BF90;
	v3 =	vld [tilespmem:s5+$0x0]  }
0x40: {  	s8 =	simm.s32 $0x19FD0;
	v6 =	vld [tilespmem:s6+$0x10]  }
0x41: {  	v4 =	vld [tilespmem:s8+$0x10]  }
0x42: {  	v9 =	vld [tilespmem:s8+$0xFFFFFFF0]  }
0x43: {  	v10 =	vld [tilespmem:s8+$0xFFFFFFE0]  }
0x44: {  	v11 =	vld [tilespmem:s6+$0xFFFFFFE0]  }
0x45: {  	v12 =	vld [tilespmem:s6+$0xFFFFFFF0]  }
0x46: {  	v5 =	vld [tilespmem:s6+$0x0]  }
0x47: {  	v0 =	vld.idx.msk [tilespmem:v0+s0+$0x0], $0xffff  }
0x48: {  	v8 =	vld.idx.msk [tilespmem:v1+s0+$0x0], $0xffff  }
0x49: {  	v7 =	vld.idx.msk [tilespmem:v2+s0+$0x0], $0xffff  }
0x4a: {  	v1 =	vld [tilespmem:s8+$0x0]  }
0x4b: {  	v2 =	vld.idx.msk [tilespmem:v3+s0+$0x0], $0xffff  }
0x4c: {  	s5 =	simm.s32 $0x1BFD0;
	v4 =	vld.idx.msk [tilespmem:v4+s0+$0x0], $0xffff  }
0x4d: {  	v0 =	vmul.f32 v6, v0;
	v6 =	vld [tilespmem:s5+$0x10]  }
0x4e: {  	s3 =	simm.s32 $0x1DF90;
	v3 =	vld.idx.msk [tilespmem:v9+s0+$0x0], $0xffff;
	v7 =	vmul.f32 v11, v7  }
0x4f: {  	s6 =	simm.s32 $0x4;
	s8 =	simm.s32 $0x1A010;
	v8 =	vmul.f32 v12, v8;
	[tilespmem:s3+$0x10] =	vst v0;
	v0 =	vld.idx.msk [tilespmem:v10+s0+$0x0], $0xffff  }
.LBB2_2:
0x50: {  	v9 =	vld [tilespmem:s8+$0x10];
	s6 =	sadd.s32 $0x4, s6;
	[tilespmem:s3+$0xFFFFFFE0] =	vst v7;
	v2 =	vmul.f32 v5, v2  }
0x51: {  	v7 =	vld [tilespmem:s8+$0xFFFFFFF0];
	p1 =	slt.u32 s6, $0xFC;
	[tilespmem:s3+$0xFFFFFFF0] =	vst v8  }
0x52: {  	v8 =	vld [tilespmem:s8+$0x0];
	v4 =	vmul.f32 v6, v4;
	[tilespmem:s3+$0x0] =	vst v2  }
0x53: {  	s3 =	sadd.s32 $0x40, s3;
	v10 =	vld [tilespmem:s8+$0xFFFFFFE0]  }
0x54: {  	v11 =	vmov v3;
	v2 =	vld.idx.msk [tilespmem:v1+s0+$0x0], $0xffff;
	[tilespmem:s3+$0x10] =	vst v4  }
0x55: {  	v12 =	vld [tilespmem:s5+$0xFFFFFFE0]  }
0x56: {  	v13 =	vld [tilespmem:s5+$0xFFFFFFF0]  }
.Ltmp0:
0x57: {  	v5 =	vld [tilespmem:s5+$0x0];
	v1 =	vmov v8;
	(pc) =	sbr.rel @p1 .LBB2_2-.Ltmp0, $4  }
0x58: {  	s5 =	sadd.s32 $0x40, s5;
	v4 =	vld.idx.msk [tilespmem:v9+s0+$0x0], $0xffff  }
0x59: {  	v6 =	vld [tilespmem:s5+$0x10]  }
0x5a: {  	v3 =	vld.idx.msk [tilespmem:v7+s0+$0x0], $0xffff;
	v7 =	vmul.f32 v12, v0  }
0x5b: {  	s8 =	sadd.s32 $0x40, s8;
	v0 =	vld.idx.msk [tilespmem:v10+s0+$0x0], $0xffff;
	v8 =	vmul.f32 v13, v11  }
0x5c: {  	_ =	sdelay $0x3  }
0x5d: {  	v1 =	vld.idx.msk [tilespmem:v1+s0+$0x0], $0xffff  }
0x5e: {  	v9 =	vld [tilespmem:s5+$0xFFFFFFE0]  }
0x5f: {  	v10 =	vld [tilespmem:s5+$0xFFFFFFF0]  }
0x60: {  	v11 =	vld [tilespmem:s5+$0x0]  }
0x61: {  	[tilespmem:s3+$0xFFFFFFE0] =	vst v7;
	v2 =	vmul.f32 v5, v2  }
0x62: {  	[tilespmem:s3+$0xFFFFFFF0] =	vst v8;
	v4 =	vmul.f32 v6, v4  }
0x63: {  	s6 =	sadd.s32 $0x40, s3;
	[tilespmem:s3+$0x0] =	vst v2;
	v0 =	vmul.f32 v9, v0  }
0x64: {  	[tilespmem:s6+$0x10] =	vst v4;
	v2 =	vmul.f32 v10, v3  }
0x65: {  	[tilespmem:s6+$0xFFFFFFE0] =	vst v0;
	v0 =	vmul.f32 v11, v1  }
0x66: {  	[tilespmem:s6+$0xFFFFFFF0] =	vst v2  }
0x67: {  	[tilespmem:s6+$0x0] =	vst v0  }
0x68: {  	s3 =	rddreg [dreg:$0xa]  }
0x69: {  	[hbm4b:s3+s0] =	stream.linear.scatter [tilespmem:s4], [sflag:$0x12], $0x1000, $0x38;
	[tilespmem:$0x1FF70] =	vst v63  }
0x6a: {  	s8 =	rddreg [dreg:$0xb]  }
0x6b: {  	[tilespmem:s30], [sflag:$0x4] =	stream.linear.gather [hbm4b:s8+s0], $0x1000, $0x38;
	[tilespmem:$0x1FF70] =	vst v63  }
0x6c: {  	s6 =	simm.s32 $0x3;
	s5 =	rddreg [dreg:$0xc]  }
0x6d: {  	[tilespmem:s31], [sflag:$0xC] =	stream.linear.gather [hbm4b:s5+s0], $0x1000, $0x38;
	[tilespmem:$0x1FF70] =	vst v63  }
0x6e: {  	_ =	swait.ge [sflag:s6], $0x1000  }
0x6f: {  	[sflag:s6] =	ssyncset.done $0x0  }
0x70: {  	s8 =	simm.s32 $0xB;
	[sflag:s6] =	ssyncadd.s32 $0xFFFFF000  }
0x71: {  	_ =	swait.ge [sflag:s8], $0x1000  }
0x72: {  	[sflag:s8] =	ssyncset.done $0x0  }
0x73: {  	s5 =	simm.s32 $0x1AF90;
	[sflag:s8] =	ssyncadd.s32 $0xFFFFF000  }
0x74: {  	v0 =	vld [tilespmem:s5+$0x10]  }
0x75: {  	v1 =	vld [tilespmem:s5+$0xFFFFFFF0]  }
0x76: {  	v2 =	vld [tilespmem:s5+$0xFFFFFFE0]  }
0x77: {  	s6 =	simm.s32 $0x1CF90;
	v3 =	vld [tilespmem:s5+$0x0]  }
0x78: {  	s8 =	simm.s32 $0x1AFD0;
	v6 =	vld [tilespmem:s6+$0x10]  }
0x79: {  	v4 =	vld [tilespmem:s8+$0x10]  }
0x7a: {  	v9 =	vld [tilespmem:s8+$0xFFFFFFF0]  }
0x7b: {  	v10 =	vld [tilespmem:s8+$0xFFFFFFE0]  }
0x7c: {  	v11 =	vld [tilespmem:s6+$0xFFFFFFE0]  }
0x7d: {  	v12 =	vld [tilespmem:s6+$0xFFFFFFF0]  }
0x7e: {  	v5 =	vld [tilespmem:s6+$0x0]  }
0x7f: {  	v0 =	vld.idx.msk [tilespmem:v0+s0+$0x0], $0xffff  }
0x80: {  	v8 =	vld.idx.msk [tilespmem:v1+s0+$0x0], $0xffff  }
0x81: {  	v7 =	vld.idx.msk [tilespmem:v2+s0+$0x0], $0xffff  }
0x82: {  	v1 =	vld [tilespmem:s8+$0x0]  }
0x83: {  	v2 =	vld.idx.msk [tilespmem:v3+s0+$0x0], $0xffff  }
0x84: {  	s5 =	simm.s32 $0x1CFD0;
	v4 =	vld.idx.msk [tilespmem:v4+s0+$0x0], $0xffff  }
0x85: {  	v0 =	vmul.f32 v6, v0;
	v6 =	vld [tilespmem:s5+$0x10]  }
0x86: {  	s3 =	simm.s32 $0x1EF90;
	v3 =	vld.idx.msk [tilespmem:v9+s0+$0x0], $0xffff;
	v7 =	vmul.f32 v11, v7  }
0x87: {  	s6 =	simm.s32 $0x4;
	s8 =	simm.s32 $0x1B010;
	v8 =	vmul.f32 v12, v8;
	[tilespmem:s3+$0x10] =	vst v0;
	v0 =	vld.idx.msk [tilespmem:v10+s0+$0x0], $0xffff  }
.LBB2_4:
0x88: {  	v9 =	vld [tilespmem:s8+$0x10];
	s6 =	sadd.s32 $0x4, s6;
	[tilespmem:s3+$0xFFFFFFE0] =	vst v7;
	v2 =	vmul.f32 v5, v2  }
0x89: {  	v7 =	vld [tilespmem:s8+$0xFFFFFFF0];
	p1 =	slt.u32 s6, $0xFC;
	[tilespmem:s3+$0xFFFFFFF0] =	vst v8  }
0x8a: {  	v8 =	vld [tilespmem:s8+$0x0];
	v4 =	vmul.f32 v6, v4;
	[tilespmem:s3+$0x0] =	vst v2  }
0x8b: {  	s3 =	sadd.s32 $0x40, s3;
	v10 =	vld [tilespmem:s8+$0xFFFFFFE0]  }
0x8c: {  	v11 =	vmov v3;
	v2 =	vld.idx.msk [tilespmem:v1+s0+$0x0], $0xffff;
	[tilespmem:s3+$0x10] =	vst v4  }
0x8d: {  	v12 =	vld [tilespmem:s5+$0xFFFFFFE0]  }
0x8e: {  	v13 =	vld [tilespmem:s5+$0xFFFFFFF0]  }
.Ltmp1:
0x8f: {  	v5 =	vld [tilespmem:s5+$0x0];
	v1 =	vmov v8;
	(pc) =	sbr.rel @p1 .LBB2_4-.Ltmp1, $4  }
0x90: {  	s5 =	sadd.s32 $0x40, s5;
	v4 =	vld.idx.msk [tilespmem:v9+s0+$0x0], $0xffff  }
0x91: {  	v6 =	vld [tilespmem:s5+$0x10]  }
0x92: {  	v3 =	vld.idx.msk [tilespmem:v7+s0+$0x0], $0xffff;
	v7 =	vmul.f32 v12, v0  }
0x93: {  	s8 =	sadd.s32 $0x40, s8;
	v0 =	vld.idx.msk [tilespmem:v10+s0+$0x0], $0xffff;
	v8 =	vmul.f32 v13, v11  }
0x94: {  	_ =	sdelay $0x3  }
0x95: {  	v1 =	vld.idx.msk [tilespmem:v1+s0+$0x0], $0xffff  }
0x96: {  	v9 =	vld [tilespmem:s5+$0xFFFFFFE0]  }
0x97: {  	v10 =	vld [tilespmem:s5+$0xFFFFFFF0]  }
0x98: {  	v11 =	vld [tilespmem:s5+$0x0]  }
0x99: {  	[tilespmem:s3+$0xFFFFFFE0] =	vst v7;
	v2 =	vmul.f32 v5, v2  }
0x9a: {  	[tilespmem:s3+$0xFFFFFFF0] =	vst v8;
	v4 =	vmul.f32 v6, v4  }
0x9b: {  	s8 =	sadd.s32 $0x40, s3;
	[tilespmem:s3+$0x0] =	vst v2;
	v0 =	vmul.f32 v9, v0  }
0x9c: {  	[tilespmem:s8+$0x10] =	vst v4;
	v2 =	vmul.f32 v10, v3  }
0x9d: {  	[tilespmem:s8+$0xFFFFFFE0] =	vst v0;
	v0 =	vmul.f32 v11, v1  }
0x9e: {  	[tilespmem:s8+$0xFFFFFFF0] =	vst v2  }
0x9f: {  	[tilespmem:s8+$0x0] =	vst v0  }
0xa0: {  	s3 =	rddreg [dreg:$0xd]  }
0xa1: {  	[hbm4b:s3+s0] =	stream.linear.scatter [tilespmem:s7], [sflag:$0x13], $0x1000, $0x38;
	[tilespmem:$0x1FF70] =	vst v63  }
0xa2: {  	s5 =	rddreg [dreg:$0xe]  }
0xa3: {  	[tilespmem:s21], [sflag:$0x5] =	stream.linear.gather [hbm4b:s5+s0], $0x1000, $0x38;
	[tilespmem:$0x1FF70] =	vst v63  }
0xa4: {  	s8 =	simm.s32 $0x4;
	s6 =	rddreg [dreg:$0xf]  }
0xa5: {  	[tilespmem:s19], [sflag:$0xD] =	stream.linear.gather [hbm4b:s6+s0], $0x1000, $0x38;
	[tilespmem:$0x1FF70] =	vst v63  }
0xa6: {  	_ =	swait.ge [sflag:s8], $0x1000  }
0xa7: {  	[sflag:s8] =	ssyncset.done $0x0  }
0xa8: {  	[sflag:s8] =	ssyncadd.s32 $0xFFFFF000  }
0xa9: {  	_ =	swait.ge [sflag:s9], $0x1000  }
0xaa: {  	[sflag:s9] =	ssyncset.done $0x0  }
0xab: {  	[sflag:s9] =	ssyncadd.s32 $0xFFFFF000  }
0xac: {  	_ =	swait.ge [sflag:s10], $0x1000  }
0xad: {  	[sflag:s10] =	ssyncset.done $0x0  }
0xae: {  	s5 =	simm.s32 $0x19F90;
	[sflag:s10] =	ssyncadd.s32 $0xFFFFF000  }
0xaf: {  	v0 =	vld [tilespmem:s5+$0x10]  }
0xb0: {  	v1 =	vld [tilespmem:s5+$0xFFFFFFF0]  }
0xb1: {  	v2 =	vld [tilespmem:s5+$0xFFFFFFE0]  }
0xb2: {  	s6 =	simm.s32 $0x1BF90;
	v3 =	vld [tilespmem:s5+$0x0]  }
0xb3: {  	s8 =	simm.s32 $0x19FD0;
	v6 =	vld [tilespmem:s6+$0x10]  }
0xb4: {  	v4 =	vld [tilespmem:s8+$0x10]  }
0xb5: {  	v9 =	vld [tilespmem:s8+$0xFFFFFFF0]  }
0xb6: {  	v10 =	vld [tilespmem:s8+$0xFFFFFFE0]  }
0xb7: {  	v11 =	vld [tilespmem:s6+$0xFFFFFFE0]  }
0xb8: {  	v12 =	vld [tilespmem:s6+$0xFFFFFFF0]  }
0xb9: {  	v5 =	vld [tilespmem:s6+$0x0]  }
0xba: {  	v0 =	vld.idx.msk [tilespmem:v0+s0+$0x0], $0xffff  }
0xbb: {  	v8 =	vld.idx.msk [tilespmem:v1+s0+$0x0], $0xffff  }
0xbc: {  	v7 =	vld.idx.msk [tilespmem:v2+s0+$0x0], $0xffff  }
0xbd: {  	v1 =	vld [tilespmem:s8+$0x0]  }
0xbe: {  	v2 =	vld.idx.msk [tilespmem:v3+s0+$0x0], $0xffff  }
0xbf: {  	s5 =	simm.s32 $0x1BFD0;
	v4 =	vld.idx.msk [tilespmem:v4+s0+$0x0], $0xffff  }
0xc0: {  	v0 =	vmul.f32 v6, v0;
	v6 =	vld [tilespmem:s5+$0x10]  }
0xc1: {  	s3 =	simm.s32 $0x1DF90;
	v3 =	vld.idx.msk [tilespmem:v9+s0+$0x0], $0xffff;
	v7 =	vmul.f32 v11, v7  }
0xc2: {  	s6 =	simm.s32 $0x4;
	s8 =	simm.s32 $0x1A010;
	v8 =	vmul.f32 v12, v8;
	[tilespmem:s3+$0x10] =	vst v0;
	v0 =	vld.idx.msk [tilespmem:v10+s0+$0x0], $0xffff  }
.LBB2_6:
0xc3: {  	v9 =	vld [tilespmem:s8+$0x10];
	s6 =	sadd.s32 $0x4, s6;
	[tilespmem:s3+$0xFFFFFFE0] =	vst v7;
	v2 =	vmul.f32 v5, v2  }
0xc4: {  	v7 =	vld [tilespmem:s8+$0xFFFFFFF0];
	p1 =	slt.u32 s6, $0xFC;
	[tilespmem:s3+$0xFFFFFFF0] =	vst v8  }
0xc5: {  	v8 =	vld [tilespmem:s8+$0x0];
	v4 =	vmul.f32 v6, v4;
	[tilespmem:s3+$0x0] =	vst v2  }
0xc6: {  	s3 =	sadd.s32 $0x40, s3;
	v10 =	vld [tilespmem:s8+$0xFFFFFFE0]  }
0xc7: {  	v11 =	vmov v3;
	v2 =	vld.idx.msk [tilespmem:v1+s0+$0x0], $0xffff;
	[tilespmem:s3+$0x10] =	vst v4  }
0xc8: {  	v12 =	vld [tilespmem:s5+$0xFFFFFFE0]  }
0xc9: {  	v13 =	vld [tilespmem:s5+$0xFFFFFFF0]  }
.Ltmp2:
0xca: {  	v5 =	vld [tilespmem:s5+$0x0];
	v1 =	vmov v8;
	(pc) =	sbr.rel @p1 .LBB2_6-.Ltmp2, $4  }
0xcb: {  	s5 =	sadd.s32 $0x40, s5;
	v4 =	vld.idx.msk [tilespmem:v9+s0+$0x0], $0xffff  }
0xcc: {  	v6 =	vld [tilespmem:s5+$0x10]  }
0xcd: {  	v3 =	vld.idx.msk [tilespmem:v7+s0+$0x0], $0xffff;
	v7 =	vmul.f32 v12, v0  }
0xce: {  	s8 =	sadd.s32 $0x40, s8;
	v0 =	vld.idx.msk [tilespmem:v10+s0+$0x0], $0xffff;
	v8 =	vmul.f32 v13, v11  }
0xcf: {  	_ =	sdelay $0x3  }
0xd0: {  	v1 =	vld.idx.msk [tilespmem:v1+s0+$0x0], $0xffff  }
0xd1: {  	v9 =	vld [tilespmem:s5+$0xFFFFFFE0]  }
0xd2: {  	v10 =	vld [tilespmem:s5+$0xFFFFFFF0]  }
0xd3: {  	v11 =	vld [tilespmem:s5+$0x0]  }
0xd4: {  	[tilespmem:s3+$0xFFFFFFE0] =	vst v7;
	v2 =	vmul.f32 v5, v2  }
0xd5: {  	[tilespmem:s3+$0xFFFFFFF0] =	vst v8;
	v4 =	vmul.f32 v6, v4  }
0xd6: {  	s5 =	sadd.s32 $0x40, s3;
	[tilespmem:s3+$0x0] =	vst v2;
	v0 =	vmul.f32 v9, v0  }
0xd7: {  	[tilespmem:s5+$0x10] =	vst v4;
	v2 =	vmul.f32 v10, v3  }
0xd8: {  	[tilespmem:s5+$0xFFFFFFE0] =	vst v0;
	v0 =	vmul.f32 v11, v1  }
0xd9: {  	[tilespmem:s5+$0xFFFFFFF0] =	vst v2  }
0xda: {  	[tilespmem:s5+$0x0] =	vst v0  }
0xdb: {  	s3 =	rddreg [dreg:$0x10]  }
0xdc: {  	[hbm4b:s3+s0] =	stream.linear.scatter [tilespmem:s4], [sflag:$0x14], $0x1000, $0x38;
	[tilespmem:$0x1FF70] =	vst v63  }
0xdd: {  	s6 =	rddreg [dreg:$0x11]  }
0xde: {  	[tilespmem:s30], [sflag:$0x6] =	stream.linear.gather [hbm4b:s6+s0], $0x1000, $0x38;
	[tilespmem:$0x1FF70] =	vst v63  }
0xdf: {  	s8 =	rddreg [dreg:$0x12]  }
0xe0: {  	[tilespmem:s31], [sflag:$0xE] =	stream.linear.gather [hbm4b:s8+s0], $0x1000, $0x38;
	[tilespmem:$0x1FF70] =	vst v63  }
0xe1: {  	_ =	swait.ge [sflag:s11], $0x1000  }
0xe2: {  	[sflag:s11] =	ssyncset.done $0x0  }
0xe3: {  	[sflag:s11] =	ssyncadd.s32 $0xFFFFF000  }
0xe4: {  	_ =	swait.ge [sflag:s23], $0x1000  }
0xe5: {  	[sflag:s23] =	ssyncset.done $0x0  }
0xe6: {  	[sflag:s23] =	ssyncadd.s32 $0xFFFFF000  }
0xe7: {  	_ =	swait.ge [sflag:s12], $0x1000  }
0xe8: {  	[sflag:s12] =	ssyncset.done $0x0  }
0xe9: {  	s5 =	simm.s32 $0x1AF90;
	[sflag:s12] =	ssyncadd.s32 $0xFFFFF000  }
0xea: {  	v0 =	vld [tilespmem:s5+$0x10]  }
0xeb: {  	v1 =	vld [tilespmem:s5+$0xFFFFFFF0]  }
0xec: {  	v2 =	vld [tilespmem:s5+$0xFFFFFFE0]  }
0xed: {  	s6 =	simm.s32 $0x1CF90;
	v3 =	vld [tilespmem:s5+$0x0]  }
0xee: {  	s8 =	simm.s32 $0x1AFD0;
	v6 =	vld [tilespmem:s6+$0x10]  }
0xef: {  	v4 =	vld [tilespmem:s8+$0x10]  }
0xf0: {  	v9 =	vld [tilespmem:s8+$0xFFFFFFF0]  }
0xf1: {  	v10 =	vld [tilespmem:s8+$0xFFFFFFE0]  }
0xf2: {  	v11 =	vld [tilespmem:s6+$0xFFFFFFE0]  }
0xf3: {  	v12 =	vld [tilespmem:s6+$0xFFFFFFF0]  }
0xf4: {  	v5 =	vld [tilespmem:s6+$0x0]  }
0xf5: {  	v0 =	vld.idx.msk [tilespmem:v0+s0+$0x0], $0xffff  }
0xf6: {  	v8 =	vld.idx.msk [tilespmem:v1+s0+$0x0], $0xffff  }
0xf7: {  	v7 =	vld.idx.msk [tilespmem:v2+s0+$0x0], $0xffff  }
0xf8: {  	v1 =	vld [tilespmem:s8+$0x0]  }
0xf9: {  	v2 =	vld.idx.msk [tilespmem:v3+s0+$0x0], $0xffff  }
0xfa: {  	s5 =	simm.s32 $0x1CFD0;
	v4 =	vld.idx.msk [tilespmem:v4+s0+$0x0], $0xffff  }
0xfb: {  	v0 =	vmul.f32 v6, v0;
	v6 =	vld [tilespmem:s5+$0x10]  }
0xfc: {  	s3 =	simm.s32 $0x1EF90;
	v3 =	vld.idx.msk [tilespmem:v9+s0+$0x0], $0xffff;
	v7 =	vmul.f32 v11, v7  }
0xfd: {  	s6 =	simm.s32 $0x4;
	s8 =	simm.s32 $0x1B010;
	v8 =	vmul.f32 v12, v8;
	[tilespmem:s3+$0x10] =	vst v0;
	v0 =	vld.idx.msk [tilespmem:v10+s0+$0x0], $0xffff  }
.LBB2_8:
0xfe: {  	v9 =	vld [tilespmem:s8+$0x10];
	s6 =	sadd.s32 $0x4, s6;
	[tilespmem:s3+$0xFFFFFFE0] =	vst v7;
	v2 =	vmul.f32 v5, v2  }
0xff: {  	v7 =	vld [tilespmem:s8+$0xFFFFFFF0];
	p1 =	slt.u32 s6, $0xFC;
	[tilespmem:s3+$0xFFFFFFF0] =	vst v8  }
0x100: {  	v8 =	vld [tilespmem:s8+$0x0];
	v4 =	vmul.f32 v6, v4;
	[tilespmem:s3+$0x0] =	vst v2  }
0x101: {  	s3 =	sadd.s32 $0x40, s3;
	v10 =	vld [tilespmem:s8+$0xFFFFFFE0]  }
0x102: {  	v11 =	vmov v3;
	v2 =	vld.idx.msk [tilespmem:v1+s0+$0x0], $0xffff;
	[tilespmem:s3+$0x10] =	vst v4  }
0x103: {  	v12 =	vld [tilespmem:s5+$0xFFFFFFE0]  }
0x104: {  	v13 =	vld [tilespmem:s5+$0xFFFFFFF0]  }
.Ltmp3:
0x105: {  	v5 =	vld [tilespmem:s5+$0x0];
	v1 =	vmov v8;
	(pc) =	sbr.rel @p1 .LBB2_8-.Ltmp3, $4  }
0x106: {  	s5 =	sadd.s32 $0x40, s5;
	v4 =	vld.idx.msk [tilespmem:v9+s0+$0x0], $0xffff  }
0x107: {  	v6 =	vld [tilespmem:s5+$0x10]  }
0x108: {  	v3 =	vld.idx.msk [tilespmem:v7+s0+$0x0], $0xffff;
	v7 =	vmul.f32 v12, v0  }
0x109: {  	s8 =	sadd.s32 $0x40, s8;
	v0 =	vld.idx.msk [tilespmem:v10+s0+$0x0], $0xffff;
	v8 =	vmul.f32 v13, v11  }
0x10a: {  	_ =	sdelay $0x3  }
0x10b: {  	v1 =	vld.idx.msk [tilespmem:v1+s0+$0x0], $0xffff  }
0x10c: {  	v9 =	vld [tilespmem:s5+$0xFFFFFFE0]  }
0x10d: {  	v10 =	vld [tilespmem:s5+$0xFFFFFFF0]  }
0x10e: {  	v11 =	vld [tilespmem:s5+$0x0]  }
0x10f: {  	[tilespmem:s3+$0xFFFFFFE0] =	vst v7;
	v2 =	vmul.f32 v5, v2  }
0x110: {  	[tilespmem:s3+$0xFFFFFFF0] =	vst v8;
	v4 =	vmul.f32 v6, v4  }
0x111: {  	s5 =	sadd.s32 $0x40, s3;
	[tilespmem:s3+$0x0] =	vst v2;
	v0 =	vmul.f32 v9, v0  }
0x112: {  	[tilespmem:s5+$0x10] =	vst v4;
	v2 =	vmul.f32 v10, v3  }
0x113: {  	[tilespmem:s5+$0xFFFFFFE0] =	vst v0;
	v0 =	vmul.f32 v11, v1  }
0x114: {  	[tilespmem:s5+$0xFFFFFFF0] =	vst v2  }
0x115: {  	[tilespmem:s5+$0x0] =	vst v0  }
0x116: {  	s3 =	rddreg [dreg:$0x13]  }
0x117: {  	[hbm4b:s3+s0] =	stream.linear.scatter [tilespmem:s7], [sflag:$0x15], $0x1000, $0x38;
	[tilespmem:$0x1FF70] =	vst v63  }
0x118: {  	s6 =	rddreg [dreg:$0x14]  }
0x119: {  	[tilespmem:s21], [sflag:$0x7] =	stream.linear.gather [hbm4b:s6+s0], $0x1000, $0x38;
	[tilespmem:$0x1FF70] =	vst v63  }
0x11a: {  	s8 =	rddreg [dreg:$0x15]  }
0x11b: {  	[tilespmem:s19], [sflag:$0xF] =	stream.linear.gather [hbm4b:s8+s0], $0x1000, $0x38;
	[tilespmem:$0x1FF70] =	vst v63  }
0x11c: {  	_ =	swait.ge [sflag:s13], $0x1000  }
0x11d: {  	[sflag:s13] =	ssyncset.done $0x0  }
0x11e: {  	[sflag:s13] =	ssyncadd.s32 $0xFFFFF000  }
0x11f: {  	_ =	swait.ge [sflag:s14], $0x1000  }
0x120: {  	[sflag:s14] =	ssyncset.done $0x0  }
0x121: {  	[sflag:s14] =	ssyncadd.s32 $0xFFFFF000  }
0x122: {  	_ =	swait.ge [sflag:s15], $0x1000  }
0x123: {  	[sflag:s15] =	ssyncset.done $0x0  }
0x124: {  	s5 =	simm.s32 $0x19F90;
	[sflag:s15] =	ssyncadd.s32 $0xFFFFF000  }
0x125: {  	v0 =	vld [tilespmem:s5+$0x10]  }
0x126: {  	v1 =	vld [tilespmem:s5+$0xFFFFFFF0]  }
0x127: {  	v2 =	vld [tilespmem:s5+$0xFFFFFFE0]  }
0x128: {  	s6 =	simm.s32 $0x1BF90;
	v3 =	vld [tilespmem:s5+$0x0]  }
0x129: {  	s8 =	simm.s32 $0x19FD0;
	v6 =	vld [tilespmem:s6+$0x10]  }
0x12a: {  	v4 =	vld [tilespmem:s8+$0x10]  }
0x12b: {  	v9 =	vld [tilespmem:s8+$0xFFFFFFF0]  }
0x12c: {  	v10 =	vld [tilespmem:s8+$0xFFFFFFE0]  }
0x12d: {  	v11 =	vld [tilespmem:s6+$0xFFFFFFE0]  }
0x12e: {  	v12 =	vld [tilespmem:s6+$0xFFFFFFF0]  }
0x12f: {  	v5 =	vld [tilespmem:s6+$0x0]  }
0x130: {  	v0 =	vld.idx.msk [tilespmem:v0+s0+$0x0], $0xffff  }
0x131: {  	v8 =	vld.idx.msk [tilespmem:v1+s0+$0x0], $0xffff  }
0x132: {  	v7 =	vld.idx.msk [tilespmem:v2+s0+$0x0], $0xffff  }
0x133: {  	v1 =	vld [tilespmem:s8+$0x0]  }
0x134: {  	v2 =	vld.idx.msk [tilespmem:v3+s0+$0x0], $0xffff  }
0x135: {  	s5 =	simm.s32 $0x1BFD0;
	v4 =	vld.idx.msk [tilespmem:v4+s0+$0x0], $0xffff  }
0x136: {  	v0 =	vmul.f32 v6, v0;
	v6 =	vld [tilespmem:s5+$0x10]  }
0x137: {  	s3 =	simm.s32 $0x1DF90;
	v3 =	vld.idx.msk [tilespmem:v9+s0+$0x0], $0xffff;
	v7 =	vmul.f32 v11, v7  }
0x138: {  	s6 =	simm.s32 $0x4;
	s8 =	simm.s32 $0x1A010;
	v8 =	vmul.f32 v12, v8;
	[tilespmem:s3+$0x10] =	vst v0;
	v0 =	vld.idx.msk [tilespmem:v10+s0+$0x0], $0xffff  }
.LBB2_10:
0x139: {  	v9 =	vld [tilespmem:s8+$0x10];
	s6 =	sadd.s32 $0x4, s6;
	[tilespmem:s3+$0xFFFFFFE0] =	vst v7;
	v2 =	vmul.f32 v5, v2  }
0x13a: {  	v7 =	vld [tilespmem:s8+$0xFFFFFFF0];
	p1 =	slt.u32 s6, $0xFC;
	[tilespmem:s3+$0xFFFFFFF0] =	vst v8  }
0x13b: {  	v8 =	vld [tilespmem:s8+$0x0];
	v4 =	vmul.f32 v6, v4;
	[tilespmem:s3+$0x0] =	vst v2  }
0x13c: {  	s3 =	sadd.s32 $0x40, s3;
	v10 =	vld [tilespmem:s8+$0xFFFFFFE0]  }
0x13d: {  	v11 =	vmov v3;
	v2 =	vld.idx.msk [tilespmem:v1+s0+$0x0], $0xffff;
	[tilespmem:s3+$0x10] =	vst v4  }
0x13e: {  	v12 =	vld [tilespmem:s5+$0xFFFFFFE0]  }
0x13f: {  	v13 =	vld [tilespmem:s5+$0xFFFFFFF0]  }
.Ltmp4:
0x140: {  	v5 =	vld [tilespmem:s5+$0x0];
	v1 =	vmov v8;
	(pc) =	sbr.rel @p1 .LBB2_10-.Ltmp4, $4  }
0x141: {  	s5 =	sadd.s32 $0x40, s5;
	v4 =	vld.idx.msk [tilespmem:v9+s0+$0x0], $0xffff  }
0x142: {  	v6 =	vld [tilespmem:s5+$0x10]  }
0x143: {  	v3 =	vld.idx.msk [tilespmem:v7+s0+$0x0], $0xffff;
	v7 =	vmul.f32 v12, v0  }
0x144: {  	s8 =	sadd.s32 $0x40, s8;
	v0 =	vld.idx.msk [tilespmem:v10+s0+$0x0], $0xffff;
	v8 =	vmul.f32 v13, v11  }
0x145: {  	_ =	sdelay $0x3  }
0x146: {  	v1 =	vld.idx.msk [tilespmem:v1+s0+$0x0], $0xffff  }
0x147: {  	v9 =	vld [tilespmem:s5+$0xFFFFFFE0]  }
0x148: {  	v10 =	vld [tilespmem:s5+$0xFFFFFFF0]  }
0x149: {  	v11 =	vld [tilespmem:s5+$0x0]  }
0x14a: {  	[tilespmem:s3+$0xFFFFFFE0] =	vst v7;
	v2 =	vmul.f32 v5, v2  }
0x14b: {  	[tilespmem:s3+$0xFFFFFFF0] =	vst v8;
	v4 =	vmul.f32 v6, v4  }
0x14c: {  	s5 =	sadd.s32 $0x40, s3;
	[tilespmem:s3+$0x0] =	vst v2;
	v0 =	vmul.f32 v9, v0  }
0x14d: {  	[tilespmem:s5+$0x10] =	vst v4;
	v2 =	vmul.f32 v10, v3  }
0x14e: {  	[tilespmem:s5+$0xFFFFFFE0] =	vst v0;
	v0 =	vmul.f32 v11, v1  }
0x14f: {  	[tilespmem:s5+$0xFFFFFFF0] =	vst v2  }
0x150: {  	[tilespmem:s5+$0x0] =	vst v0  }
0x151: {  	s3 =	rddreg [dreg:$0x16]  }
0x152: {  	[hbm4b:s3+s0] =	stream.linear.scatter [tilespmem:s4], [sflag:$0x16], $0x1000, $0x38;
	[tilespmem:$0x1FF70] =	vst v63  }
0x153: {  	s6 =	rddreg [dreg:$0x18]  }
0x154: {  	[tilespmem:s30], [sflag:$0x8] =	stream.linear.gather [hbm4b:s6+s0], $0x1000, $0x38;
	[tilespmem:$0x1FF70] =	vst v63  }
0x155: {  	s8 =	rddreg [dreg:$0x1a]  }
0x156: {  	[tilespmem:s31], [sflag:$0x10] =	stream.linear.gather [hbm4b:s8+s0], $0x1000, $0x38;
	[tilespmem:$0x1FF70] =	vst v63  }
0x157: {  	_ =	swait.ge [sflag:s16], $0x1000  }
0x158: {  	[sflag:s16] =	ssyncset.done $0x0  }
0x159: {  	[sflag:s16] =	ssyncadd.s32 $0xFFFFF000  }
0x15a: {  	_ =	swait.ge [sflag:s17], $0x1000  }
0x15b: {  	[sflag:s17] =	ssyncset.done $0x0  }
0x15c: {  	[sflag:s17] =	ssyncadd.s32 $0xFFFFF000  }
0x15d: {  	_ =	swait.ge [sflag:s18], $0x1000  }
0x15e: {  	[sflag:s18] =	ssyncset.done $0x0  }
0x15f: {  	s5 =	simm.s32 $0x1AF90;
	[sflag:s18] =	ssyncadd.s32 $0xFFFFF000  }
0x160: {  	v0 =	vld [tilespmem:s5+$0x10]  }
0x161: {  	v1 =	vld [tilespmem:s5+$0xFFFFFFF0]  }
0x162: {  	v2 =	vld [tilespmem:s5+$0xFFFFFFE0]  }
0x163: {  	s6 =	simm.s32 $0x1CF90;
	v3 =	vld [tilespmem:s5+$0x0]  }
0x164: {  	s8 =	simm.s32 $0x1AFD0;
	v6 =	vld [tilespmem:s6+$0x10]  }
0x165: {  	v4 =	vld [tilespmem:s8+$0x10]  }
0x166: {  	v9 =	vld [tilespmem:s8+$0xFFFFFFF0]  }
0x167: {  	v10 =	vld [tilespmem:s8+$0xFFFFFFE0]  }
0x168: {  	v11 =	vld [tilespmem:s6+$0xFFFFFFE0]  }
0x169: {  	v12 =	vld [tilespmem:s6+$0xFFFFFFF0]  }
0x16a: {  	v5 =	vld [tilespmem:s6+$0x0]  }
0x16b: {  	v0 =	vld.idx.msk [tilespmem:v0+s0+$0x0], $0xffff  }
0x16c: {  	v8 =	vld.idx.msk [tilespmem:v1+s0+$0x0], $0xffff  }
0x16d: {  	v7 =	vld.idx.msk [tilespmem:v2+s0+$0x0], $0xffff  }
0x16e: {  	v1 =	vld [tilespmem:s8+$0x0]  }
0x16f: {  	v2 =	vld.idx.msk [tilespmem:v3+s0+$0x0], $0xffff  }
0x170: {  	s5 =	simm.s32 $0x1CFD0;
	v4 =	vld.idx.msk [tilespmem:v4+s0+$0x0], $0xffff  }
0x171: {  	v0 =	vmul.f32 v6, v0;
	v6 =	vld [tilespmem:s5+$0x10]  }
0x172: {  	s3 =	simm.s32 $0x1EF90;
	v3 =	vld.idx.msk [tilespmem:v9+s0+$0x0], $0xffff;
	v7 =	vmul.f32 v11, v7  }
0x173: {  	s6 =	simm.s32 $0x4;
	s8 =	simm.s32 $0x1B010;
	v8 =	vmul.f32 v12, v8;
	[tilespmem:s3+$0x10] =	vst v0;
	v0 =	vld.idx.msk [tilespmem:v10+s0+$0x0], $0xffff  }
.LBB2_12:
0x174: {  	v9 =	vld [tilespmem:s8+$0x10];
	s6 =	sadd.s32 $0x4, s6;
	[tilespmem:s3+$0xFFFFFFE0] =	vst v7;
	v2 =	vmul.f32 v5, v2  }
0x175: {  	v7 =	vld [tilespmem:s8+$0xFFFFFFF0];
	p1 =	slt.u32 s6, $0xFC;
	[tilespmem:s3+$0xFFFFFFF0] =	vst v8  }
0x176: {  	v8 =	vld [tilespmem:s8+$0x0];
	v4 =	vmul.f32 v6, v4;
	[tilespmem:s3+$0x0] =	vst v2  }
0x177: {  	s3 =	sadd.s32 $0x40, s3;
	v10 =	vld [tilespmem:s8+$0xFFFFFFE0]  }
0x178: {  	v11 =	vmov v3;
	v2 =	vld.idx.msk [tilespmem:v1+s0+$0x0], $0xffff;
	[tilespmem:s3+$0x10] =	vst v4  }
0x179: {  	v12 =	vld [tilespmem:s5+$0xFFFFFFE0]  }
0x17a: {  	v13 =	vld [tilespmem:s5+$0xFFFFFFF0]  }
.Ltmp5:
0x17b: {  	v5 =	vld [tilespmem:s5+$0x0];
	v1 =	vmov v8;
	(pc) =	sbr.rel @p1 .LBB2_12-.Ltmp5, $4  }
0x17c: {  	s5 =	sadd.s32 $0x40, s5;
	v4 =	vld.idx.msk [tilespmem:v9+s0+$0x0], $0xffff  }
0x17d: {  	v6 =	vld [tilespmem:s5+$0x10]  }
0x17e: {  	v3 =	vld.idx.msk [tilespmem:v7+s0+$0x0], $0xffff;
	v7 =	vmul.f32 v12, v0  }
0x17f: {  	s8 =	sadd.s32 $0x40, s8;
	v0 =	vld.idx.msk [tilespmem:v10+s0+$0x0], $0xffff;
	v8 =	vmul.f32 v13, v11  }
0x180: {  	_ =	sdelay $0x3  }
0x181: {  	v1 =	vld.idx.msk [tilespmem:v1+s0+$0x0], $0xffff  }
0x182: {  	v9 =	vld [tilespmem:s5+$0xFFFFFFE0]  }
0x183: {  	v10 =	vld [tilespmem:s5+$0xFFFFFFF0]  }
0x184: {  	v11 =	vld [tilespmem:s5+$0x0]  }
0x185: {  	[tilespmem:s3+$0xFFFFFFE0] =	vst v7;
	v2 =	vmul.f32 v5, v2  }
0x186: {  	[tilespmem:s3+$0xFFFFFFF0] =	vst v8;
	v4 =	vmul.f32 v6, v4  }
0x187: {  	s5 =	sadd.s32 $0x40, s3;
	[tilespmem:s3+$0x0] =	vst v2;
	v0 =	vmul.f32 v9, v0  }
0x188: {  	[tilespmem:s5+$0x10] =	vst v4;
	v2 =	vmul.f32 v10, v3  }
0x189: {  	[tilespmem:s5+$0xFFFFFFE0] =	vst v0;
	v0 =	vmul.f32 v11, v1  }
0x18a: {  	[tilespmem:s5+$0xFFFFFFF0] =	vst v2  }
0x18b: {  	[tilespmem:s5+$0x0] =	vst v0  }
0x18c: {  	s3 =	rddreg [dreg:$0x17]  }
0x18d: {  	[hbm4b:s3+s0] =	stream.linear.scatter [tilespmem:s7], [sflag:$0x17], $0x1000, $0x38;
	[tilespmem:$0x1FF70] =	vst v63  }
0x18e: {  	s6 =	rddreg [dreg:$0x19]  }
0x18f: {  	[tilespmem:s21], [sflag:$0x9] =	stream.linear.gather [hbm4b:s6+s0], $0x1000, $0x38;
	[tilespmem:$0x1FF70] =	vst v63  }
0x190: {  	s8 =	rddreg [dreg:$0x1b]  }
0x191: {  	[tilespmem:s19], [sflag:$0x11] =	stream.linear.gather [hbm4b:s8+s0], $0x1000, $0x38;
	[tilespmem:$0x1FF70] =	vst v63  }
0x192: {  	_ =	swait.ge [sflag:s20], $0x1000  }
0x193: {  	[sflag:s20] =	ssyncset.done $0x0  }
0x194: {  	[sflag:s20] =	ssyncadd.s32 $0xFFFFF000  }
0x195: {  	_ =	swait.ge [sflag:s22], $0x1000  }
0x196: {  	[sflag:s22] =	ssyncset.done $0x0  }
0x197: {  	[sflag:s22] =	ssyncadd.s32 $0xFFFFF000  }
0x198: {  	_ =	swait.ge [sflag:s24], $0x1000  }
0x199: {  	[sflag:s24] =	ssyncset.done $0x0  }
0x19a: {  	s5 =	simm.s32 $0x19F90;
	[sflag:s24] =	ssyncadd.s32 $0xFFFFF000  }
0x19b: {  	v0 =	vld [tilespmem:s5+$0x10]  }
0x19c: {  	v1 =	vld [tilespmem:s5+$0xFFFFFFF0]  }
0x19d: {  	v2 =	vld [tilespmem:s5+$0xFFFFFFE0]  }
0x19e: {  	s6 =	simm.s32 $0x1BF90;
	v3 =	vld [tilespmem:s5+$0x0]  }
0x19f: {  	s8 =	simm.s32 $0x19FD0;
	v6 =	vld [tilespmem:s6+$0x10]  }
0x1a0: {  	v4 =	vld [tilespmem:s8+$0x10]  }
0x1a1: {  	v9 =	vld [tilespmem:s8+$0xFFFFFFF0]  }
0x1a2: {  	v10 =	vld [tilespmem:s8+$0xFFFFFFE0]  }
0x1a3: {  	v11 =	vld [tilespmem:s6+$0xFFFFFFE0]  }
0x1a4: {  	v12 =	vld [tilespmem:s6+$0xFFFFFFF0]  }
0x1a5: {  	v5 =	vld [tilespmem:s6+$0x0]  }
0x1a6: {  	v0 =	vld.idx.msk [tilespmem:v0+s0+$0x0], $0xffff  }
0x1a7: {  	v8 =	vld.idx.msk [tilespmem:v1+s0+$0x0], $0xffff  }
0x1a8: {  	v7 =	vld.idx.msk [tilespmem:v2+s0+$0x0], $0xffff  }
0x1a9: {  	v1 =	vld [tilespmem:s8+$0x0]  }
0x1aa: {  	v2 =	vld.idx.msk [tilespmem:v3+s0+$0x0], $0xffff  }
0x1ab: {  	s5 =	simm.s32 $0x1BFD0;
	v4 =	vld.idx.msk [tilespmem:v4+s0+$0x0], $0xffff  }
0x1ac: {  	v0 =	vmul.f32 v6, v0;
	v6 =	vld [tilespmem:s5+$0x10]  }
0x1ad: {  	s3 =	simm.s32 $0x1DF90;
	v3 =	vld.idx.msk [tilespmem:v9+s0+$0x0], $0xffff;
	v7 =	vmul.f32 v11, v7  }
0x1ae: {  	s6 =	simm.s32 $0x4;
	s8 =	simm.s32 $0x1A010;
	v8 =	vmul.f32 v12, v8;
	[tilespmem:s3+$0x10] =	vst v0;
	v0 =	vld.idx.msk [tilespmem:v10+s0+$0x0], $0xffff  }
.LBB2_14:
0x1af: {  	v9 =	vld [tilespmem:s8+$0x10];
	s6 =	sadd.s32 $0x4, s6;
	[tilespmem:s3+$0xFFFFFFE0] =	vst v7;
	v2 =	vmul.f32 v5, v2  }
0x1b0: {  	v7 =	vld [tilespmem:s8+$0xFFFFFFF0];
	p1 =	slt.u32 s6, $0xFC;
	[tilespmem:s3+$0xFFFFFFF0] =	vst v8  }
0x1b1: {  	v8 =	vld [tilespmem:s8+$0x0];
	v4 =	vmul.f32 v6, v4;
	[tilespmem:s3+$0x0] =	vst v2  }
0x1b2: {  	s3 =	sadd.s32 $0x40, s3;
	v10 =	vld [tilespmem:s8+$0xFFFFFFE0]  }
0x1b3: {  	v11 =	vmov v3;
	v2 =	vld.idx.msk [tilespmem:v1+s0+$0x0], $0xffff;
	[tilespmem:s3+$0x10] =	vst v4  }
0x1b4: {  	v12 =	vld [tilespmem:s5+$0xFFFFFFE0]  }
0x1b5: {  	v13 =	vld [tilespmem:s5+$0xFFFFFFF0]  }
.Ltmp6:
0x1b6: {  	v5 =	vld [tilespmem:s5+$0x0];
	v1 =	vmov v8;
	(pc) =	sbr.rel @p1 .LBB2_14-.Ltmp6, $4  }
0x1b7: {  	s5 =	sadd.s32 $0x40, s5;
	v4 =	vld.idx.msk [tilespmem:v9+s0+$0x0], $0xffff  }
0x1b8: {  	v6 =	vld [tilespmem:s5+$0x10]  }
0x1b9: {  	v3 =	vld.idx.msk [tilespmem:v7+s0+$0x0], $0xffff;
	v7 =	vmul.f32 v12, v0  }
0x1ba: {  	s8 =	sadd.s32 $0x40, s8;
	v0 =	vld.idx.msk [tilespmem:v10+s0+$0x0], $0xffff;
	v8 =	vmul.f32 v13, v11  }
0x1bb: {  	_ =	sdelay $0x3  }
0x1bc: {  	v1 =	vld.idx.msk [tilespmem:v1+s0+$0x0], $0xffff  }
0x1bd: {  	v9 =	vld [tilespmem:s5+$0xFFFFFFE0]  }
0x1be: {  	v10 =	vld [tilespmem:s5+$0xFFFFFFF0]  }
0x1bf: {  	v11 =	vld [tilespmem:s5+$0x0]  }
0x1c0: {  	[tilespmem:s3+$0xFFFFFFE0] =	vst v7;
	v2 =	vmul.f32 v5, v2  }
0x1c1: {  	[tilespmem:s3+$0xFFFFFFF0] =	vst v8;
	v4 =	vmul.f32 v6, v4  }
0x1c2: {  	s8 =	sadd.s32 $0x40, s3;
	[tilespmem:s3+$0x0] =	vst v2;
	v0 =	vmul.f32 v9, v0  }
0x1c3: {  	[tilespmem:s8+$0x10] =	vst v4;
	v2 =	vmul.f32 v10, v3  }
0x1c4: {  	[tilespmem:s8+$0xFFFFFFE0] =	vst v0;
	v0 =	vmul.f32 v11, v1  }
0x1c5: {  	[tilespmem:s8+$0xFFFFFFF0] =	vst v2  }
0x1c6: {  	[tilespmem:s8+$0x0] =	vst v0  }
0x1c7: {  	s3 =	rddreg [dreg:$0x1c]  }
0x1c8: {  	[hbm4b:s3+s0] =	stream.linear.scatter [tilespmem:s4], [sflag:$0x18], $0x1000, $0x38;
	[tilespmem:$0x1FF70] =	vst v63  }
0x1c9: {  	_ =	swait.ge [sflag:s25], $0x1000  }
0x1ca: {  	[sflag:s25] =	ssyncset.done $0x0  }
0x1cb: {  	[sflag:s25] =	ssyncadd.s32 $0xFFFFF000  }
0x1cc: {  	_ =	swait.ge [sflag:s26], $0x1000  }
0x1cd: {  	[sflag:s26] =	ssyncset.done $0x0  }
0x1ce: {  	[sflag:s26] =	ssyncadd.s32 $0xFFFFF000  }
0x1cf: {  	_ =	swait.ge [sflag:s28], $0x1000  }
0x1d0: {  	[sflag:s28] =	ssyncset.done $0x0  }
0x1d1: {  	s5 =	simm.s32 $0x1AF90;
	[sflag:s28] =	ssyncadd.s32 $0xFFFFF000  }
0x1d2: {  	v0 =	vld [tilespmem:s5+$0x10]  }
0x1d3: {  	v1 =	vld [tilespmem:s5+$0xFFFFFFF0]  }
0x1d4: {  	v2 =	vld [tilespmem:s5+$0xFFFFFFE0]  }
0x1d5: {  	s6 =	simm.s32 $0x1CF90;
	v3 =	vld [tilespmem:s5+$0x0]  }
0x1d6: {  	s8 =	simm.s32 $0x1AFD0;
	v6 =	vld [tilespmem:s6+$0x10]  }
0x1d7: {  	v4 =	vld [tilespmem:s8+$0x10]  }
0x1d8: {  	v9 =	vld [tilespmem:s8+$0xFFFFFFF0]  }
0x1d9: {  	v10 =	vld [tilespmem:s8+$0xFFFFFFE0]  }
0x1da: {  	v11 =	vld [tilespmem:s6+$0xFFFFFFE0]  }
0x1db: {  	v12 =	vld [tilespmem:s6+$0xFFFFFFF0]  }
0x1dc: {  	v5 =	vld [tilespmem:s6+$0x0]  }
0x1dd: {  	v0 =	vld.idx.msk [tilespmem:v0+s0+$0x0], $0xffff  }
0x1de: {  	v8 =	vld.idx.msk [tilespmem:v1+s0+$0x0], $0xffff  }
0x1df: {  	v7 =	vld.idx.msk [tilespmem:v2+s0+$0x0], $0xffff  }
0x1e0: {  	v1 =	vld [tilespmem:s8+$0x0]  }
0x1e1: {  	v2 =	vld.idx.msk [tilespmem:v3+s0+$0x0], $0xffff  }
0x1e2: {  	s5 =	simm.s32 $0x1CFD0;
	v4 =	vld.idx.msk [tilespmem:v4+s0+$0x0], $0xffff  }
0x1e3: {  	v0 =	vmul.f32 v6, v0;
	v6 =	vld [tilespmem:s5+$0x10]  }
0x1e4: {  	s3 =	simm.s32 $0x1EF90;
	v3 =	vld.idx.msk [tilespmem:v9+s0+$0x0], $0xffff;
	v7 =	vmul.f32 v11, v7  }
0x1e5: {  	s6 =	simm.s32 $0x4;
	s8 =	simm.s32 $0x1B010;
	v8 =	vmul.f32 v12, v8;
	[tilespmem:s3+$0x10] =	vst v0;
	v0 =	vld.idx.msk [tilespmem:v10+s0+$0x0], $0xffff  }
.LBB2_16:
0x1e6: {  	v9 =	vld [tilespmem:s8+$0x10];
	s6 =	sadd.s32 $0x4, s6;
	[tilespmem:s3+$0xFFFFFFE0] =	vst v7;
	v2 =	vmul.f32 v5, v2  }
0x1e7: {  	v7 =	vld [tilespmem:s8+$0xFFFFFFF0];
	p1 =	slt.u32 s6, $0xFC;
	[tilespmem:s3+$0xFFFFFFF0] =	vst v8  }
0x1e8: {  	v8 =	vld [tilespmem:s8+$0x0];
	v4 =	vmul.f32 v6, v4;
	[tilespmem:s3+$0x0] =	vst v2  }
0x1e9: {  	s3 =	sadd.s32 $0x40, s3;
	v10 =	vld [tilespmem:s8+$0xFFFFFFE0]  }
0x1ea: {  	v11 =	vmov v3;
	v2 =	vld.idx.msk [tilespmem:v1+s0+$0x0], $0xffff;
	[tilespmem:s3+$0x10] =	vst v4  }
0x1eb: {  	v12 =	vld [tilespmem:s5+$0xFFFFFFE0]  }
0x1ec: {  	v13 =	vld [tilespmem:s5+$0xFFFFFFF0]  }
.Ltmp7:
0x1ed: {  	v5 =	vld [tilespmem:s5+$0x0];
	v1 =	vmov v8;
	(pc) =	sbr.rel @p1 .LBB2_16-.Ltmp7, $4  }
0x1ee: {  	s5 =	sadd.s32 $0x40, s5;
	v4 =	vld.idx.msk [tilespmem:v9+s0+$0x0], $0xffff  }
0x1ef: {  	v6 =	vld [tilespmem:s5+$0x10]  }
0x1f0: {  	v3 =	vld.idx.msk [tilespmem:v7+s0+$0x0], $0xffff;
	v7 =	vmul.f32 v12, v0  }
0x1f1: {  	s8 =	sadd.s32 $0x40, s8;
	v0 =	vld.idx.msk [tilespmem:v10+s0+$0x0], $0xffff;
	v8 =	vmul.f32 v13, v11  }
0x1f2: {  	_ =	sdelay $0x3  }
0x1f3: {  	v1 =	vld.idx.msk [tilespmem:v1+s0+$0x0], $0xffff  }
0x1f4: {  	v9 =	vld [tilespmem:s5+$0xFFFFFFE0]  }
0x1f5: {  	v10 =	vld [tilespmem:s5+$0xFFFFFFF0]  }
0x1f6: {  	v11 =	vld [tilespmem:s5+$0x0]  }
0x1f7: {  	[tilespmem:s3+$0xFFFFFFE0] =	vst v7;
	v2 =	vmul.f32 v5, v2  }
0x1f8: {  	[tilespmem:s3+$0xFFFFFFF0] =	vst v8;
	v4 =	vmul.f32 v6, v4  }
0x1f9: {  	s6 =	sadd.s32 $0x40, s3;
	[tilespmem:s3+$0x0] =	vst v2;
	v0 =	vmul.f32 v9, v0  }
0x1fa: {  	[tilespmem:s6+$0x10] =	vst v4;
	v62 =	vmul.f32 v10, v3  }
0x1fb: {  	v63 =	vmul.f32 v11, v1;
	[tilespmem:s6+$0xFFFFFFE0] =	vst v0  }
0x1fc: {  	[tilespmem:s6+$0xFFFFFFF0] =	vst v62  }
0x1fd: {  	[tilespmem:s6+$0x0] =	vst v63  }
0x1fe: {  	s3 =	rddreg [dreg:$0x1d]  }
0x1ff: {  	[hbm4b:s3+s0] =	stream.linear.scatter [tilespmem:s7], [sflag:$0x19], $0x1000, $0x38;
	[tilespmem:$0x1FF70] =	vst v63  }
0x200: {  	_ =	swait.ge [sflag:s29], $0x1000  }
0x201: {  	[sflag:s29] =	ssyncset.done $0x0  }
0x202: {  	[sflag:s29] =	ssyncadd.s32 $0xFFFFF000  }
0x203: {  	_ =	swait.ge [sflag:s1], $0x1000  }
0x204: {  	s2 =	sadd.s32 $0x1, s2;
	s8 =	rddreg [dreg:$0x1e]  }
0x205: {  	p1 =	sne.s32 s2, s8  }
.Ltmp8:
0x206: {  	_ = 	snop;
	(pc) =	sbr.rel @p1 .LBB2_1-.Ltmp8, $3  }
0x207: {  	_ =	sdelay $0x1  }
0x208: {  	[sflag:s1] =	ssyncset.done $0x0  }
0x209: {  	[sflag:s1] =	ssyncadd.s32 $0xFFFFF000  }
0x20a: {  	_ =	sfence.sel $0x180000  }
0x20b: {  	[bflag:$0x0] =	sbarrier.arrive $0xFFFF  }
0x20c: {  	_ =	strace $0x90000047  }
0x20d: {  	[bflag:$0x2] =	sbarrier.arrive $0xFFFF  }
0x20e: {  	s0 =	rddreg [dreg:$0x5]  }
0x20f: {  	s0 =	sadd.s32 @!p0 $0x100000, s0  }
0x210: {  	[sflag:s0] =	ssyncadd.tile.s32 @!p0 $0x1;
	_ =	shalt  }
.Lfunc_end2:
_tile_overlayer_lowered:
.L_overlay_start_2:
0x211: {  	(tag) =	ssettag $0x2  }
0x212: {  	s0 =	rddreg [dreg:$0x0];
	s2 =	stileid.u32  }
0x213: {  	s1 =	rddreg [dreg:$0x1];
	p0 =	sne.s32 s2, $0x0  }
0x214: {  	s3 =	rddreg [dreg:$0x2];
	[bflag:$0x3] =	sbarrier.arrive $0xFFFF;
	s2 =	simm.s32 @!p0 $0x1C1A  }
0x215: {  	[timem:s3], [sflag:s2] =	dma.local @!p0 [hbm:s0], s1  }
0x216: {  	s0 =	simm.s32 @!p0 $0x1A  }
0x217: {  	_ =	swait.ge @!p0 [sflag:s0], s1  }
0x218: {  	s1 =	ssub.s32 @!p0 $0x0, s1;
	[sflag:s0] =	ssyncset.done @!p0 $0x0  }
0x219: {  	[sflag:s0] =	ssyncadd.s32 @!p0 s1  }
0x21a: {  	[bflag:$0x3] =	sbarrier.arrive $0xFFFF  }
0x21b: {  	_ =	shalt  }

</sc_bundles>
